<compile_context>
chip_gen: v7x
topology: tpu7x:2x2x1
jax: 0.10.2.dev20260603
libtpu: 0.0.44.dev20260713+nightly
codegen_flags: <defaults>
</compile_context>

<pallas_src>
import functools

import jax
import jax.numpy as jnp
from jax import lax
from jax.experimental import pallas as pl
from jax.experimental.pallas import tpu as pltpu
from jax.experimental.pallas import tpu_sc as plsc

N = 10000
E = 320000
D = 128

NC = 2
NS = 16
L = 16
NW = NC * NS
EPW = E // NW
C = 80
NCHUNK = EPW // C
NPAIR = NCHUNK // 2
RPT = 624
TAIL = N - NS * RPT
ZROWS = 48



_TC_BLK = 400


def _tc_pre_body(x_ref, ws_ref, wd_ref, wn_ref, bm_ref, bo_ref,
                 p_ref, q_ref, r_ref):
    xb = x_ref[...]
    p_ref[...] = jnp.dot(xb, ws_ref[...],
                         preferred_element_type=jnp.float32) + bm_ref[...]
    q_ref[...] = jnp.dot(xb, wd_ref[...], preferred_element_type=jnp.float32)
    r_ref[...] = jnp.dot(xb, wn_ref[...],
                         preferred_element_type=jnp.float32) + bo_ref[...]


def _tc_pre(x, w_src, w_dst, w_node, b_msg, b_out):
    row_spec = pl.BlockSpec((_TC_BLK, D), lambda i: (i, 0))
    full_spec = pl.BlockSpec((D, D), lambda i: (0, 0))
    bias_spec = pl.BlockSpec((1, D), lambda i: (0, 0))
    out_sds = jax.ShapeDtypeStruct((N, D), jnp.float32)
    return pl.pallas_call(
        _tc_pre_body,
        grid=(N // _TC_BLK,),
        in_specs=[row_spec, full_spec, full_spec, full_spec,
                  bias_spec, bias_spec],
        out_specs=[row_spec, row_spec, row_spec],
        out_shape=[out_sds, out_sds, out_sds],
    )(x, w_src, w_dst, w_node, b_msg, b_out)



def _sc_edge_body(p_hbm, q_hbm, idx_hbm, out_hbm,
                  si0, si1, di0, di1, sc0, sc1, pbuf0, pbuf1,
                  qbuf0, qbuf1, zbuf,
                  agg_sh, sem_p0, sem_p1, sem_q0, sem_q1, sem_s0, sem_s1,
                  sem_is0, sem_is1, sem_id0, sem_id1):
    c = lax.axis_index("c")
    s = lax.axis_index("s")
    wid = s * NC + c

    def zero_row(i, carry):
        for j in range(D // L):
            zbuf[i, pl.ds(j * L, L)] = jnp.zeros((L,), jnp.float32)
        return carry

    lax.fori_loop(0, ZROWS, zero_row, 0)
    for t in range(RPT // ZROWS):
        pltpu.sync_copy(zbuf, agg_sh.at[pl.ds(s * RPT + t * ZROWS, ZROWS)])

    @pl.when(s == NS - 1)
    def _zero_tail():
        pltpu.sync_copy(zbuf.at[pl.ds(0, TAIL)],
                        agg_sh.at[pl.ds(NS * RPT, TAIL)])

    plsc.subcore_barrier()

    bufs = ((si0, di0, sc0, pbuf0, qbuf0, sem_p0, sem_q0, sem_s0,
             sem_is0, sem_id0),
            (si1, di1, sc1, pbuf1, qbuf1, sem_p1, sem_q1, sem_s1,
             sem_is1, sem_id1))

    def idx_copy(off, b):
        si, di, _, _, _, _, _, _, sis, sid = bufs[b]
        base = wid * EPW + off * C
        pltpu.async_copy(idx_hbm.at[pl.ds(base, C)], si, sis)
        pltpu.async_copy(idx_hbm.at[pl.ds(E + base, C)], di, sid)

    def wait_idx(off, b):
        si, di, _, _, _, _, _, _, sis, sid = bufs[b]
        base = wid * EPW + off * C
        pltpu.make_async_copy(idx_hbm.at[pl.ds(base, C)], si, sis).wait()
        pltpu.make_async_copy(idx_hbm.at[pl.ds(E + base, C)], di, sid).wait()

    def gather(b):
        si, di, _, pb, qb, sp, sq, _, _, _ = bufs[b]
        pltpu.async_copy(p_hbm.at[si], pb, sp)
        pltpu.async_copy(q_hbm.at[di], qb, sq)

    def wait_gather(b):
        si, di, _, pb, qb, sp, sq, _, _, _ = bufs[b]
        pltpu.make_async_copy(p_hbm.at[si], pb, sp).wait()
        pltpu.make_async_copy(q_hbm.at[di], qb, sq).wait()

    def scatter(b):
        _, _, sc, pb, _, _, _, ss, _, _ = bufs[b]
        pltpu.async_copy(pb, agg_sh.at[sc], ss, add=True)

    def wait_scatter(b):
        _, _, sc, pb, _, _, _, ss, _, _ = bufs[b]
        pltpu.make_async_copy(pb, agg_sh.at[sc], ss).wait()

    def compute(b):
        _, di, sc, pb, qb, _, _, _, _, _ = bufs[b]
        for j in range(C // L):
            sl = pl.ds(j * L, L)
            sc[sl] = di[sl]

        def row(e, cr):
            for j in range(D // L):
                sl = pl.ds(j * L, L)
                pb[e, sl] = jnp.maximum(pb[e, sl] + qb[e, sl], 0.0)
            return cr

        lax.fori_loop(0, C, row, 0)

    idx_copy(0, 0)
    idx_copy(1, 1)
    wait_idx(0, 0)
    gather(0)

    def pair(g, carry):
        off0 = 2 * g

        wait_gather(0)

        @pl.when(g > 0)
        def _drain1():
            wait_scatter(1)

        wait_idx(off0 + 1, 1)
        gather(1)
        compute(0)
        scatter(0)
        idx_copy(off0 + 2, 0)

        wait_gather(1)
        wait_scatter(0)

        @pl.when(g < NPAIR - 1)
        def _next0():
            wait_idx(off0 + 2, 0)
            gather(0)

        compute(1)
        scatter(1)

        @pl.when(g < NPAIR - 1)
        def _prefetch1():
            idx_copy(off0 + 3, 1)

        return carry

    lax.fori_loop(0, NPAIR, pair, 0)

    wait_idx(NCHUNK - 1, 0)
    gather(0)
    wait_gather(0)
    wait_scatter(1)
    compute(0)
    scatter(0)
    wait_scatter(0)
    plsc.subcore_barrier()

    pltpu.sync_copy(agg_sh.at[pl.ds(s * RPT, RPT)],
                    out_hbm.at[c, pl.ds(s * RPT, RPT)])

    @pl.when(s == NS - 1)
    def _copy_tail():
        pltpu.sync_copy(agg_sh.at[pl.ds(NS * RPT, TAIL)],
                        out_hbm.at[c, pl.ds(NS * RPT, TAIL)])


_sc_edge = functools.partial(
    pl.kernel,
    out_type=jax.ShapeDtypeStruct((NC, N, D), jnp.float32),
    mesh=plsc.VectorSubcoreMesh(core_axis_name="c", subcore_axis_name="s"),
    scratch_types=(
        [pltpu.VMEM((C,), jnp.int32)] * 6
        + [pltpu.VMEM((C, D), jnp.float32)] * 4
        + [pltpu.VMEM((ZROWS, D), jnp.float32)]
        + [pltpu.VMEM_SHARED((N, D), jnp.float32)]
        + [pltpu.SemaphoreType.DMA] * 10
    ),
)(_sc_edge_body)



def _tc_post_body(r_ref, a0_ref, a1_ref, wa_ref, o_ref):
    agg = a0_ref[...] + a1_ref[...]
    o_ref[...] = jnp.maximum(
        r_ref[...] + jnp.dot(agg, wa_ref[...],
                             preferred_element_type=jnp.float32), 0.0)


def _tc_post(r, a0, a1, w_agg):
    row_spec = pl.BlockSpec((_TC_BLK, D), lambda i: (i, 0))
    full_spec = pl.BlockSpec((D, D), lambda i: (0, 0))
    return pl.pallas_call(
        _tc_post_body,
        grid=(N // _TC_BLK,),
        in_specs=[row_spec, row_spec, row_spec, full_spec],
        out_specs=row_spec,
        out_shape=jax.ShapeDtypeStruct((N, D), jnp.float32),
    )(r, a0, a1, w_agg)


def kernel(x, edge_index, W_src, W_dst, b_msg, W_node, W_agg, b_out):
    idx = edge_index.reshape(2 * E)
    p, q, r = _tc_pre(x, W_src, W_dst, W_node,
                      b_msg.reshape(1, D), b_out.reshape(1, D))
    agg_part = _sc_edge(p, q, idx)
    return _tc_post(r, agg_part[0], agg_part[1], W_agg)

# --- scband reference (transcript-rebuilt; emitter-appended) ---
"""Pipeline reference for scband-net-17360257810705 (READ-ONLY COPY).

The authoritative reference and input builder live on the scoring server;
editing this copy changes nothing except your own understanding.
"""

import jax, jax.numpy as jnp
import numpy as np

N = 10000
E = 320000
D = 128


def setup_inputs(seed: int = 0) -> dict:
    key = jax.random.key(seed)
    ks = jax.random.split(key, 8)
    x = jax.random.normal(ks[0], (N, D), dtype=jnp.float32)
    edge_index = jax.random.randint(ks[1], (2, E), 0, N).astype(jnp.int32)
    s = 1.0 / np.sqrt(D)
    W_src = jax.random.normal(ks[2], (D, D), dtype=jnp.float32) * s
    W_dst = jax.random.normal(ks[3], (D, D), dtype=jnp.float32) * s
    b_msg = jnp.zeros((D,), dtype=jnp.float32)
    W_node = jax.random.normal(ks[4], (D, D), dtype=jnp.float32) * s
    W_agg = jax.random.normal(ks[5], (D, D), dtype=jnp.float32) * s
    b_out = jnp.zeros((D,), dtype=jnp.float32)
    return {
        "x": x,
        "edge_index": edge_index,
        "W_src": W_src,
        "W_dst": W_dst,
        "b_msg": b_msg,
        "W_node": W_node,
        "W_agg": W_agg,
        "b_out": b_out,
    }


def reference(x, edge_index, W_src, W_dst, b_msg, W_node, W_agg, b_out):
    # One message-passing step of the Net's MPNN processor (hidden_dim=128,
    # nb_msg_passing_steps=1, no hints, no LSTM):
    #   message: m_e = relu(W_src h_src + W_dst h_dst + b)
    #   aggregate: a_v = sum_{e: dst(e)=v} m_e   (scatter-add / segment_sum)
    #   update:  h'_v = relu(W_node h_v + W_agg a_v + b)
    src = edge_index[0]
    dst = edge_index[1]
    msg = jax.nn.relu(x[src] @ W_src + x[dst] @ W_dst + b_msg)
    agg = jax.ops.segment_sum(msg, dst, num_segments=N)
    out = jax.nn.relu(x @ W_node + agg @ W_agg + b_out)
    return out

if __name__ == "__main__":
    import jax
    _d = setup_inputs()
    print(jax.jit(kernel)(*tuple(_d.values())))

</pallas_src>

<mosaic_0001>
#map = affine_map<(d0, d1) -> (0, 0)>
#map1 = affine_map<(d0, d1) -> (0)>
#map2 = affine_map<(d0, d1) -> (0, 0, 0)>
module attributes {stable_mosaic.version = 14 : i64} {
  func.func @_sc_edge_body(%arg0: i32, %arg1: i32, %arg2: memref<10000x128xf32, #tpu.memory_space<hbm>>, %arg3: memref<10000x128xf32, #tpu.memory_space<hbm>>, %arg4: memref<640000xi32, #tpu.memory_space<hbm>>, %arg5: memref<2x10000x128xf32, #tpu.memory_space<hbm>>, %arg6: memref<80xi32, #tpu.memory_space<vmem>>, %arg7: memref<80xi32, #tpu.memory_space<vmem>>, %arg8: memref<80xi32, #tpu.memory_space<vmem>>, %arg9: memref<80xi32, #tpu.memory_space<vmem>>, %arg10: memref<80xi32, #tpu.memory_space<vmem>>, %arg11: memref<80xi32, #tpu.memory_space<vmem>>, %arg12: memref<80x128xf32, #tpu.memory_space<vmem>>, %arg13: memref<80x128xf32, #tpu.memory_space<vmem>>, %arg14: memref<80x128xf32, #tpu.memory_space<vmem>>, %arg15: memref<80x128xf32, #tpu.memory_space<vmem>>, %arg16: memref<48x128xf32, #tpu.memory_space<vmem>>, %arg17: memref<10000x128xf32, #tpu.memory_space<vmem_shared>>, %arg18: memref<!tpu.dma_semaphore, #tpu.memory_space<semaphore_mem>>, %arg19: memref<!tpu.dma_semaphore, #tpu.memory_space<semaphore_mem>>, %arg20: memref<!tpu.dma_semaphore, #tpu.memory_space<semaphore_mem>>, %arg21: memref<!tpu.dma_semaphore, #tpu.memory_space<semaphore_mem>>, %arg22: memref<!tpu.dma_semaphore, #tpu.memory_space<semaphore_mem>>, %arg23: memref<!tpu.dma_semaphore, #tpu.memory_space<semaphore_mem>>, %arg24: memref<!tpu.dma_semaphore, #tpu.memory_space<semaphore_mem>>, %arg25: memref<!tpu.dma_semaphore, #tpu.memory_space<semaphore_mem>>, %arg26: memref<!tpu.dma_semaphore, #tpu.memory_space<semaphore_mem>>, %arg27: memref<!tpu.dma_semaphore, #tpu.memory_space<semaphore_mem>>) attributes {dimension_semantics = [#tpu.dimension_semantics<core_parallel>, #tpu.dimension_semantics<subcore_parallel>], iteration_bounds = array<i64: 2, 16>, scalar_prefetch = 0 : i64, scratch_operands = 22 : i64, tpu.core_type = #tpu.core_type<sc_vector_subcore>, window_params = [{transform_indices = #map}, {transform_indices = #map}, {transform_indices = #map1}, {transform_indices = #map2}]} {
    %mul3A = arith.constant 2 : i32
    %mul3A_0 = arith.muli %arg1, %mul3A : i32
    %add3A = arith.addi %mul3A_0, %arg0 : i32
    %scan3A = arith.constant 0 : i32
    %scan3A_1 = arith.constant 0 : i32
    %scan3A_2 = arith.constant 48 : i32
    %scan3A_3 = arith.addi %scan3A_1, %scan3A_2 : i32
    %scan3A_4 = arith.constant 1 : i32
    scf.for %scan3A_180 = %scan3A_1 to %scan3A_3 step %scan3A_4  : i32 {
      %broadcast_in_dim3A = arith.constant 0.000000e+00 : f32
      %broadcast_in_dim3A_181 = vector.broadcast %broadcast_in_dim3A : f32 to vector<16xf32>
      %swap3A_182 = arith.index_cast %scan3A_180 : i32 to index
      %swap3A_183 = arith.constant 0 : index
      %swap3A_184 = tpu.vector_load %arg16[%swap3A_182, %swap3A_183] {strides = array<i32>} : memref<48x128xf32, #tpu.memory_space<vmem>>, vector<1x16xf32>,
      %swap3A_185 = vector.shape_cast %swap3A_184 : vector<1x16xf32> to vector<16xf32>
      %swap3A_186 = vector.shape_cast %broadcast_in_dim3A_181 : vector<16xf32> to vector<1x16xf32>
      tpu.vector_store %arg16[%swap3A_182, %swap3A_183], %swap3A_186 {strides = array<i32>} : memref<48x128xf32, #tpu.memory_space<vmem>>, vector<1x16xf32>,
      %broadcast_in_dim3A_187 = arith.constant 0.000000e+00 : f32
      %broadcast_in_dim3A_188 = vector.broadcast %broadcast_in_dim3A_187 : f32 to vector<16xf32>
      %swap3A_189 = arith.index_cast %scan3A_180 : i32 to index
      %swap3A_190 = arith.constant 16 : index
      %swap3A_191 = tpu.vector_load %arg16[%swap3A_189, %swap3A_190] {strides = array<i32>} : memref<48x128xf32, #tpu.memory_space<vmem>>, vector<1x16xf32>,
      %swap3A_192 = vector.shape_cast %swap3A_191 : vector<1x16xf32> to vector<16xf32>
      %swap3A_193 = vector.shape_cast %broadcast_in_dim3A_188 : vector<16xf32> to vector<1x16xf32>
      tpu.vector_store %arg16[%swap3A_189, %swap3A_190], %swap3A_193 {strides = array<i32>} : memref<48x128xf32, #tpu.memory_space<vmem>>, vector<1x16xf32>,
      %broadcast_in_dim3A_194 = arith.constant 0.000000e+00 : f32
      %broadcast_in_dim3A_195 = vector.broadcast %broadcast_in_dim3A_194 : f32 to vector<16xf32>
      %swap3A_196 = arith.index_cast %scan3A_180 : i32 to index
      %swap3A_197 = arith.constant 32 : index
      %swap3A_198 = tpu.vector_load %arg16[%swap3A_196, %swap3A_197] {strides = array<i32>} : memref<48x128xf32, #tpu.memory_space<vmem>>, vector<1x16xf32>,
      %swap3A_199 = vector.shape_cast %swap3A_198 : vector<1x16xf32> to vector<16xf32>
      %swap3A_200 = vector.shape_cast %broadcast_in_dim3A_195 : vector<16xf32> to vector<1x16xf32>
      tpu.vector_store %arg16[%swap3A_196, %swap3A_197], %swap3A_200 {strides = array<i32>} : memref<48x128xf32, #tpu.memory_space<vmem>>, vector<1x16xf32>,
      %broadcast_in_dim3A_201 = arith.constant 0.000000e+00 : f32
      %broadcast_in_dim3A_202 = vector.broadcast %broadcast_in_dim3A_201 : f32 to vector<16xf32>
      %swap3A_203 = arith.index_cast %scan3A_180 : i32 to index
      %swap3A_204 = arith.constant 48 : index
      %swap3A_205 = tpu.vector_load %arg16[%swap3A_203, %swap3A_204] {strides = array<i32>} : memref<48x128xf32, #tpu.memory_space<vmem>>, vector<1x16xf32>,
      %swap3A_206 = vector.shape_cast %swap3A_205 : vector<1x16xf32> to vector<16xf32>
      %swap3A_207 = vector.shape_cast %broadcast_in_dim3A_202 : vector<16xf32> to vector<1x16xf32>
      tpu.vector_store %arg16[%swap3A_203, %swap3A_204], %swap3A_207 {strides = array<i32>} : memref<48x128xf32, #tpu.memory_space<vmem>>, vector<1x16xf32>,
      %broadcast_in_dim3A_208 = arith.constant 0.000000e+00 : f32
      %broadcast_in_dim3A_209 = vector.broadcast %broadcast_in_dim3A_208 : f32 to vector<16xf32>
      %swap3A_210 = arith.index_cast %scan3A_180 : i32 to index
      %swap3A_211 = arith.constant 64 : index
      %swap3A_212 = tpu.vector_load %arg16[%swap3A_210, %swap3A_211] {strides = array<i32>} : memref<48x128xf32, #tpu.memory_space<vmem>>, vector<1x16xf32>,
      %swap3A_213 = vector.shape_cast %swap3A_212 : vector<1x16xf32> to vector<16xf32>
      %swap3A_214 = vector.shape_cast %broadcast_in_dim3A_209 : vector<16xf32> to vector<1x16xf32>
      tpu.vector_store %arg16[%swap3A_210, %swap3A_211], %swap3A_214 {strides = array<i32>} : memref<48x128xf32, #tpu.memory_space<vmem>>, vector<1x16xf32>,
      %broadcast_in_dim3A_215 = arith.constant 0.000000e+00 : f32
      %broadcast_in_dim3A_216 = vector.broadcast %broadcast_in_dim3A_215 : f32 to vector<16xf32>
      %swap3A_217 = arith.index_cast %scan3A_180 : i32 to index
      %swap3A_218 = arith.constant 80 : index
      %swap3A_219 = tpu.vector_load %arg16[%swap3A_217, %swap3A_218] {strides = array<i32>} : memref<48x128xf32, #tpu.memory_space<vmem>>, vector<1x16xf32>,
      %swap3A_220 = vector.shape_cast %swap3A_219 : vector<1x16xf32> to vector<16xf32>
      %swap3A_221 = vector.shape_cast %broadcast_in_dim3A_216 : vector<16xf32> to vector<1x16xf32>
      tpu.vector_store %arg16[%swap3A_217, %swap3A_218], %swap3A_221 {strides = array<i32>} : memref<48x128xf32, #tpu.memory_space<vmem>>, vector<1x16xf32>,
      %broadcast_in_dim3A_222 = arith.constant 0.000000e+00 : f32
      %broadcast_in_dim3A_223 = vector.broadcast %broadcast_in_dim3A_222 : f32 to vector<16xf32>
      %swap3A_224 = arith.index_cast %scan3A_180 : i32 to index
      %swap3A_225 = arith.constant 96 : index
      %swap3A_226 = tpu.vector_load %arg16[%swap3A_224, %swap3A_225] {strides = array<i32>} : memref<48x128xf32, #tpu.memory_space<vmem>>, vector<1x16xf32>,
      %swap3A_227 = vector.shape_cast %swap3A_226 : vector<1x16xf32> to vector<16xf32>
      %swap3A_228 = vector.shape_cast %broadcast_in_dim3A_223 : vector<16xf32> to vector<1x16xf32>
      tpu.vector_store %arg16[%swap3A_224, %swap3A_225], %swap3A_228 {strides = array<i32>} : memref<48x128xf32, #tpu.memory_space<vmem>>, vector<1x16xf32>,
      %broadcast_in_dim3A_229 = arith.constant 0.000000e+00 : f32
      %broadcast_in_dim3A_230 = vector.broadcast %broadcast_in_dim3A_229 : f32 to vector<16xf32>
      %swap3A_231 = arith.index_cast %scan3A_180 : i32 to index
      %swap3A_232 = arith.constant 112 : index
      %swap3A_233 = tpu.vector_load %arg16[%swap3A_231, %swap3A_232] {strides = array<i32>} : memref<48x128xf32, #tpu.memory_space<vmem>>, vector<1x16xf32>,
      %swap3A_234 = vector.shape_cast %swap3A_233 : vector<1x16xf32> to vector<16xf32>
      %swap3A_235 = vector.shape_cast %broadcast_in_dim3A_230 : vector<16xf32> to vector<1x16xf32>
      tpu.vector_store %arg16[%swap3A_231, %swap3A_232], %swap3A_235 {strides = array<i32>} : memref<48x128xf32, #tpu.memory_space<vmem>>, vector<1x16xf32>,
    }
    %scan3A_5 = arith.constant 48 : i32
    %mul3A_6 = arith.constant 624 : i32
    %mul3A_7 = arith.muli %arg1, %mul3A_6 : i32
    %add3A_8 = arith.constant 0 : i32
    %add3A_9 = arith.addi %mul3A_7, %add3A_8 : i32
    "tpu.region"() ({
      %run_scoped3A = tpu.sem_alloc : memref<!tpu.dma_semaphore, #tpu.memory_space<semaphore_mem>>
      %dma_start3A_180 = arith.constant 0 : i32
      %dma_start3A_181 = tpu.memref_slice %arg17[%add3A_9, %dma_start3A_180] : memref<10000x128xf32, #tpu.memory_space<vmem_shared>> -> memref<48x128xf32, #tpu.memory_space<vmem_shared>>
      %dma_start3A_182 = arith.constant 0 : i32
      %dma_start3A_183 = tpu.memref_slice %arg17[%add3A_9, %dma_start3A_182] : memref<10000x128xf32, #tpu.memory_space<vmem_shared>> -> memref<48x128xf32, #tpu.memory_space<vmem_shared>>
      tpu.enqueue_dma source(%arg16 : memref<48x128xf32, #tpu.memory_space<vmem>>) target(%dma_start3A_183 : memref<48x128xf32, #tpu.memory_space<vmem_shared>>) target_semaphore(%run_scoped3A : memref<!tpu.dma_semaphore, #tpu.memory_space<semaphore_mem>>)
      %dma_wait3A_184 = arith.constant 0 : i32
      %dma_wait3A_185 = tpu.memref_slice %arg17[%add3A_9, %dma_wait3A_184] : memref<10000x128xf32, #tpu.memory_space<vmem_shared>> -> memref<48x128xf32, #tpu.memory_space<vmem_shared>>
      %dma_wait3A_186 = arith.constant 0 : i32
      %dma_wait3A_187 = tpu.memref_slice %arg17[%add3A_9, %dma_wait3A_186] : memref<10000x128xf32, #tpu.memory_space<vmem_shared>> -> memref<48x128xf32, #tpu.memory_space<vmem_shared>>
      tpu.wait_dma2 semaphore(%run_scoped3A : memref<!tpu.dma_semaphore, #tpu.memory_space<semaphore_mem>>) src(%arg16 : memref<48x128xf32, #tpu.memory_space<vmem>>) dst(%dma_wait3A_187 : memref<48x128xf32, #tpu.memory_space<vmem_shared>>)
      tpu.yield
    }) : () -> ()
    %mul3A_10 = arith.constant 624 : i32
    %mul3A_11 = arith.muli %arg1, %mul3A_10 : i32
    %add3A_12 = arith.constant 48 : i32
    %add3A_13 = arith.addi %mul3A_11, %add3A_12 : i32
    "tpu.region"() ({
      %run_scoped3A = tpu.sem_alloc : memref<!tpu.dma_semaphore, #tpu.memory_space<semaphore_mem>>
      %dma_start3A_180 = arith.constant 0 : i32
      %dma_start3A_181 = tpu.memref_slice %arg17[%add3A_13, %dma_start3A_180] : memref<10000x128xf32, #tpu.memory_space<vmem_shared>> -> memref<48x128xf32, #tpu.memory_space<vmem_shared>>
      %dma_start3A_182 = arith.constant 0 : i32
      %dma_start3A_183 = tpu.memref_slice %arg17[%add3A_13, %dma_start3A_182] : memref<10000x128xf32, #tpu.memory_space<vmem_shared>> -> memref<48x128xf32, #tpu.memory_space<vmem_shared>>
      tpu.enqueue_dma source(%arg16 : memref<48x128xf32, #tpu.memory_space<vmem>>) target(%dma_start3A_183 : memref<48x128xf32, #tpu.memory_space<vmem_shared>>) target_semaphore(%run_scoped3A : memref<!tpu.dma_semaphore, #tpu.memory_space<semaphore_mem>>)
      %dma_wait3A_184 = arith.constant 0 : i32
      %dma_wait3A_185 = tpu.memref_slice %arg17[%add3A_13, %dma_wait3A_184] : memref<10000x128xf32, #tpu.memory_space<vmem_shared>> -> memref<48x128xf32, #tpu.memory_space<vmem_shared>>
      %dma_wait3A_186 = arith.constant 0 : i32
      %dma_wait3A_187 = tpu.memref_slice %arg17[%add3A_13, %dma_wait3A_186] : memref<10000x128xf32, #tpu.memory_space<vmem_shared>> -> memref<48x128xf32, #tpu.memory_space<vmem_shared>>
      tpu.wait_dma2 semaphore(%run_scoped3A : memref<!tpu.dma_semaphore, #tpu.memory_space<semaphore_mem>>) src(%arg16 : memref<48x128xf32, #tpu.memory_space<vmem>>) dst(%dma_wait3A_187 : memref<48x128xf32, #tpu.memory_space<vmem_shared>>)
      tpu.yield
    }) : () -> ()
    %mul3A_14 = arith.constant 624 : i32
    %mul3A_15 = arith.muli %arg1, %mul3A_14 : i32
    %add3A_16 = arith.constant 96 : i32
    %add3A_17 = arith.addi %mul3A_15, %add3A_16 : i32
    "tpu.region"() ({
      %run_scoped3A = tpu.sem_alloc : memref<!tpu.dma_semaphore, #tpu.memory_space<semaphore_mem>>
      %dma_start3A_180 = arith.constant 0 : i32
      %dma_start3A_181 = tpu.memref_slice %arg17[%add3A_17, %dma_start3A_180] : memref<10000x128xf32, #tpu.memory_space<vmem_shared>> -> memref<48x128xf32, #tpu.memory_space<vmem_shared>>
      %dma_start3A_182 = arith.constant 0 : i32
      %dma_start3A_183 = tpu.memref_slice %arg17[%add3A_17, %dma_start3A_182] : memref<10000x128xf32, #tpu.memory_space<vmem_shared>> -> memref<48x128xf32, #tpu.memory_space<vmem_shared>>
      tpu.enqueue_dma source(%arg16 : memref<48x128xf32, #tpu.memory_space<vmem>>) target(%dma_start3A_183 : memref<48x128xf32, #tpu.memory_space<vmem_shared>>) target_semaphore(%run_scoped3A : memref<!tpu.dma_semaphore, #tpu.memory_space<semaphore_mem>>)
      %dma_wait3A_184 = arith.constant 0 : i32
      %dma_wait3A_185 = tpu.memref_slice %arg17[%add3A_17, %dma_wait3A_184] : memref<10000x128xf32, #tpu.memory_space<vmem_shared>> -> memref<48x128xf32, #tpu.memory_space<vmem_shared>>
      %dma_wait3A_186 = arith.constant 0 : i32
      %dma_wait3A_187 = tpu.memref_slice %arg17[%add3A_17, %dma_wait3A_186] : memref<10000x128xf32, #tpu.memory_space<vmem_shared>> -> memref<48x128xf32, #tpu.memory_space<vmem_shared>>
      tpu.wait_dma2 semaphore(%run_scoped3A : memref<!tpu.dma_semaphore, #tpu.memory_space<semaphore_mem>>) src(%arg16 : memref<48x128xf32, #tpu.memory_space<vmem>>) dst(%dma_wait3A_187 : memref<48x128xf32, #tpu.memory_space<vmem_shared>>)
      tpu.yield
    }) : () -> ()
    %mul3A_18 = arith.constant 624 : i32
    %mul3A_19 = arith.muli %arg1, %mul3A_18 : i32
    %add3A_20 = arith.constant 144 : i32
    %add3A_21 = arith.addi %mul3A_19, %add3A_20 : i32
    "tpu.region"() ({
      %run_scoped3A = tpu.sem_alloc : memref<!tpu.dma_semaphore, #tpu.memory_space<semaphore_mem>>
      %dma_start3A_180 = arith.constant 0 : i32
      %dma_start3A_181 = tpu.memref_slice %arg17[%add3A_21, %dma_start3A_180] : memref<10000x128xf32, #tpu.memory_space<vmem_shared>> -> memref<48x128xf32, #tpu.memory_space<vmem_shared>>
      %dma_start3A_182 = arith.constant 0 : i32
      %dma_start3A_183 = tpu.memref_slice %arg17[%add3A_21, %dma_start3A_182] : memref<10000x128xf32, #tpu.memory_space<vmem_shared>> -> memref<48x128xf32, #tpu.memory_space<vmem_shared>>
      tpu.enqueue_dma source(%arg16 : memref<48x128xf32, #tpu.memory_space<vmem>>) target(%dma_start3A_183 : memref<48x128xf32, #tpu.memory_space<vmem_shared>>) target_semaphore(%run_scoped3A : memref<!tpu.dma_semaphore, #tpu.memory_space<semaphore_mem>>)
      %dma_wait3A_184 = arith.constant 0 : i32
      %dma_wait3A_185 = tpu.memref_slice %arg17[%add3A_21, %dma_wait3A_184] : memref<10000x128xf32, #tpu.memory_space<vmem_shared>> -> memref<48x128xf32, #tpu.memory_space<vmem_shared>>
      %dma_wait3A_186 = arith.constant 0 : i32
      %dma_wait3A_187 = tpu.memref_slice %arg17[%add3A_21, %dma_wait3A_186] : memref<10000x128xf32, #tpu.memory_space<vmem_shared>> -> memref<48x128xf32, #tpu.memory_space<vmem_shared>>
      tpu.wait_dma2 semaphore(%run_scoped3A : memref<!tpu.dma_semaphore, #tpu.memory_space<semaphore_mem>>) src(%arg16 : memref<48x128xf32, #tpu.memory_space<vmem>>) dst(%dma_wait3A_187 : memref<48x128xf32, #tpu.memory_space<vmem_shared>>)
      tpu.yield
    }) : () -> ()
    %mul3A_22 = arith.constant 624 : i32
    %mul3A_23 = arith.muli %arg1, %mul3A_22 : i32
    %add3A_24 = arith.constant 192 : i32
    %add3A_25 = arith.addi %mul3A_23, %add3A_24 : i32
    "tpu.region"() ({
      %run_scoped3A = tpu.sem_alloc : memref<!tpu.dma_semaphore, #tpu.memory_space<semaphore_mem>>
      %dma_start3A_180 = arith.constant 0 : i32
      %dma_start3A_181 = tpu.memref_slice %arg17[%add3A_25, %dma_start3A_180] : memref<10000x128xf32, #tpu.memory_space<vmem_shared>> -> memref<48x128xf32, #tpu.memory_space<vmem_shared>>
      %dma_start3A_182 = arith.constant 0 : i32
      %dma_start3A_183 = tpu.memref_slice %arg17[%add3A_25, %dma_start3A_182] : memref<10000x128xf32, #tpu.memory_space<vmem_shared>> -> memref<48x128xf32, #tpu.memory_space<vmem_shared>>
      tpu.enqueue_dma source(%arg16 : memref<48x128xf32, #tpu.memory_space<vmem>>) target(%dma_start3A_183 : memref<48x128xf32, #tpu.memory_space<vmem_shared>>) target_semaphore(%run_scoped3A : memref<!tpu.dma_semaphore, #tpu.memory_space<semaphore_mem>>)
      %dma_wait3A_184 = arith.constant 0 : i32
      %dma_wait3A_185 = tpu.memref_slice %arg17[%add3A_25, %dma_wait3A_184] : memref<10000x128xf32, #tpu.memory_space<vmem_shared>> -> memref<48x128xf32, #tpu.memory_space<vmem_shared>>
      %dma_wait3A_186 = arith.constant 0 : i32
      %dma_wait3A_187 = tpu.memref_slice %arg17[%add3A_25, %dma_wait3A_186] : memref<10000x128xf32, #tpu.memory_space<vmem_shared>> -> memref<48x128xf32, #tpu.memory_space<vmem_shared>>
      tpu.wait_dma2 semaphore(%run_scoped3A : memref<!tpu.dma_semaphore, #tpu.memory_space<semaphore_mem>>) src(%arg16 : memref<48x128xf32, #tpu.memory_space<vmem>>) dst(%dma_wait3A_187 : memref<48x128xf32, #tpu.memory_space<vmem_shared>>)
      tpu.yield
    }) : () -> ()
    %mul3A_26 = arith.constant 624 : i32
    %mul3A_27 = arith.muli %arg1, %mul3A_26 : i32
    %add3A_28 = arith.constant 240 : i32
    %add3A_29 = arith.addi %mul3A_27, %add3A_28 : i32
    "tpu.region"() ({
      %run_scoped3A = tpu.sem_alloc : memref<!tpu.dma_semaphore, #tpu.memory_space<semaphore_mem>>
      %dma_start3A_180 = arith.constant 0 : i32
      %dma_start3A_181 = tpu.memref_slice %arg17[%add3A_29, %dma_start3A_180] : memref<10000x128xf32, #tpu.memory_space<vmem_shared>> -> memref<48x128xf32, #tpu.memory_space<vmem_shared>>
      %dma_start3A_182 = arith.constant 0 : i32
      %dma_start3A_183 = tpu.memref_slice %arg17[%add3A_29, %dma_start3A_182] : memref<10000x128xf32, #tpu.memory_space<vmem_shared>> -> memref<48x128xf32, #tpu.memory_space<vmem_shared>>
      tpu.enqueue_dma source(%arg16 : memref<48x128xf32, #tpu.memory_space<vmem>>) target(%dma_start3A_183 : memref<48x128xf32, #tpu.memory_space<vmem_shared>>) target_semaphore(%run_scoped3A : memref<!tpu.dma_semaphore, #tpu.memory_space<semaphore_mem>>)
      %dma_wait3A_184 = arith.constant 0 : i32
      %dma_wait3A_185 = tpu.memref_slice %arg17[%add3A_29, %dma_wait3A_184] : memref<10000x128xf32, #tpu.memory_space<vmem_shared>> -> memref<48x128xf32, #tpu.memory_space<vmem_shared>>
      %dma_wait3A_186 = arith.constant 0 : i32
      %dma_wait3A_187 = tpu.memref_slice %arg17[%add3A_29, %dma_wait3A_186] : memref<10000x128xf32, #tpu.memory_space<vmem_shared>> -> memref<48x128xf32, #tpu.memory_space<vmem_shared>>
      tpu.wait_dma2 semaphore(%run_scoped3A : memref<!tpu.dma_semaphore, #tpu.memory_space<semaphore_mem>>) src(%arg16 : memref<48x128xf32, #tpu.memory_space<vmem>>) dst(%dma_wait3A_187 : memref<48x128xf32, #tpu.memory_space<vmem_shared>>)
      tpu.yield
    }) : () -> ()
    %mul3A_30 = arith.constant 624 : i32
    %mul3A_31 = arith.muli %arg1, %mul3A_30 : i32
    %add3A_32 = arith.constant 288 : i32
    %add3A_33 = arith.addi %mul3A_31, %add3A_32 : i32
    "tpu.region"() ({
      %run_scoped3A = tpu.sem_alloc : memref<!tpu.dma_semaphore, #tpu.memory_space<semaphore_mem>>
      %dma_start3A_180 = arith.constant 0 : i32
      %dma_start3A_181 = tpu.memref_slice %arg17[%add3A_33, %dma_start3A_180] : memref<10000x128xf32, #tpu.memory_space<vmem_shared>> -> memref<48x128xf32, #tpu.memory_space<vmem_shared>>
      %dma_start3A_182 = arith.constant 0 : i32
      %dma_start3A_183 = tpu.memref_slice %arg17[%add3A_33, %dma_start3A_182] : memref<10000x128xf32, #tpu.memory_space<vmem_shared>> -> memref<48x128xf32, #tpu.memory_space<vmem_shared>>
      tpu.enqueue_dma source(%arg16 : memref<48x128xf32, #tpu.memory_space<vmem>>) target(%dma_start3A_183 : memref<48x128xf32, #tpu.memory_space<vmem_shared>>) target_semaphore(%run_scoped3A : memref<!tpu.dma_semaphore, #tpu.memory_space<semaphore_mem>>)
      %dma_wait3A_184 = arith.constant 0 : i32
      %dma_wait3A_185 = tpu.memref_slice %arg17[%add3A_33, %dma_wait3A_184] : memref<10000x128xf32, #tpu.memory_space<vmem_shared>> -> memref<48x128xf32, #tpu.memory_space<vmem_shared>>
      %dma_wait3A_186 = arith.constant 0 : i32
      %dma_wait3A_187 = tpu.memref_slice %arg17[%add3A_33, %dma_wait3A_186] : memref<10000x128xf32, #tpu.memory_space<vmem_shared>> -> memref<48x128xf32, #tpu.memory_space<vmem_shared>>
      tpu.wait_dma2 semaphore(%run_scoped3A : memref<!tpu.dma_semaphore, #tpu.memory_space<semaphore_mem>>) src(%arg16 : memref<48x128xf32, #tpu.memory_space<vmem>>) dst(%dma_wait3A_187 : memref<48x128xf32, #tpu.memory_space<vmem_shared>>)
      tpu.yield
    }) : () -> ()
    %mul3A_34 = arith.constant 624 : i32
    %mul3A_35 = arith.muli %arg1, %mul3A_34 : i32
    %add3A_36 = arith.constant 336 : i32
    %add3A_37 = arith.addi %mul3A_35, %add3A_36 : i32
    "tpu.region"() ({
      %run_scoped3A = tpu.sem_alloc : memref<!tpu.dma_semaphore, #tpu.memory_space<semaphore_mem>>
      %dma_start3A_180 = arith.constant 0 : i32
      %dma_start3A_181 = tpu.memref_slice %arg17[%add3A_37, %dma_start3A_180] : memref<10000x128xf32, #tpu.memory_space<vmem_shared>> -> memref<48x128xf32, #tpu.memory_space<vmem_shared>>
      %dma_start3A_182 = arith.constant 0 : i32
      %dma_start3A_183 = tpu.memref_slice %arg17[%add3A_37, %dma_start3A_182] : memref<10000x128xf32, #tpu.memory_space<vmem_shared>> -> memref<48x128xf32, #tpu.memory_space<vmem_shared>>
      tpu.enqueue_dma source(%arg16 : memref<48x128xf32, #tpu.memory_space<vmem>>) target(%dma_start3A_183 : memref<48x128xf32, #tpu.memory_space<vmem_shared>>) target_semaphore(%run_scoped3A : memref<!tpu.dma_semaphore, #tpu.memory_space<semaphore_mem>>)
      %dma_wait3A_184 = arith.constant 0 : i32
      %dma_wait3A_185 = tpu.memref_slice %arg17[%add3A_37, %dma_wait3A_184] : memref<10000x128xf32, #tpu.memory_space<vmem_shared>> -> memref<48x128xf32, #tpu.memory_space<vmem_shared>>
      %dma_wait3A_186 = arith.constant 0 : i32
      %dma_wait3A_187 = tpu.memref_slice %arg17[%add3A_37, %dma_wait3A_186] : memref<10000x128xf32, #tpu.memory_space<vmem_shared>> -> memref<48x128xf32, #tpu.memory_space<vmem_shared>>
      tpu.wait_dma2 semaphore(%run_scoped3A : memref<!tpu.dma_semaphore, #tpu.memory_space<semaphore_mem>>) src(%arg16 : memref<48x128xf32, #tpu.memory_space<vmem>>) dst(%dma_wait3A_187 : memref<48x128xf32, #tpu.memory_space<vmem_shared>>)
      tpu.yield
    }) : () -> ()
    %mul3A_38 = arith.constant 624 : i32
    %mul3A_39 = arith.muli %arg1, %mul3A_38 : i32
    %add3A_40 = arith.constant 384 : i32
    %add3A_41 = arith.addi %mul3A_39, %add3A_40 : i32
    "tpu.region"() ({
      %run_scoped3A = tpu.sem_alloc : memref<!tpu.dma_semaphore, #tpu.memory_space<semaphore_mem>>
      %dma_start3A_180 = arith.constant 0 : i32
      %dma_start3A_181 = tpu.memref_slice %arg17[%add3A_41, %dma_start3A_180] : memref<10000x128xf32, #tpu.memory_space<vmem_shared>> -> memref<48x128xf32, #tpu.memory_space<vmem_shared>>
      %dma_start3A_182 = arith.constant 0 : i32
      %dma_start3A_183 = tpu.memref_slice %arg17[%add3A_41, %dma_start3A_182] : memref<10000x128xf32, #tpu.memory_space<vmem_shared>> -> memref<48x128xf32, #tpu.memory_space<vmem_shared>>
      tpu.enqueue_dma source(%arg16 : memref<48x128xf32, #tpu.memory_space<vmem>>) target(%dma_start3A_183 : memref<48x128xf32, #tpu.memory_space<vmem_shared>>) target_semaphore(%run_scoped3A : memref<!tpu.dma_semaphore, #tpu.memory_space<semaphore_mem>>)
      %dma_wait3A_184 = arith.constant 0 : i32
      %dma_wait3A_185 = tpu.memref_slice %arg17[%add3A_41, %dma_wait3A_184] : memref<10000x128xf32, #tpu.memory_space<vmem_shared>> -> memref<48x128xf32, #tpu.memory_space<vmem_shared>>
      %dma_wait3A_186 = arith.constant 0 : i32
      %dma_wait3A_187 = tpu.memref_slice %arg17[%add3A_41, %dma_wait3A_186] : memref<10000x128xf32, #tpu.memory_space<vmem_shared>> -> memref<48x128xf32, #tpu.memory_space<vmem_shared>>
      tpu.wait_dma2 semaphore(%run_scoped3A : memref<!tpu.dma_semaphore, #tpu.memory_space<semaphore_mem>>) src(%arg16 : memref<48x128xf32, #tpu.memory_space<vmem>>) dst(%dma_wait3A_187 : memref<48x128xf32, #tpu.memory_space<vmem_shared>>)
      tpu.yield
    }) : () -> ()
    %mul3A_42 = arith.constant 624 : i32
    %mul3A_43 = arith.muli %arg1, %mul3A_42 : i32
    %add3A_44 = arith.constant 432 : i32
    %add3A_45 = arith.addi %mul3A_43, %add3A_44 : i32
    "tpu.region"() ({
      %run_scoped3A = tpu.sem_alloc : memref<!tpu.dma_semaphore, #tpu.memory_space<semaphore_mem>>
      %dma_start3A_180 = arith.constant 0 : i32
      %dma_start3A_181 = tpu.memref_slice %arg17[%add3A_45, %dma_start3A_180] : memref<10000x128xf32, #tpu.memory_space<vmem_shared>> -> memref<48x128xf32, #tpu.memory_space<vmem_shared>>
      %dma_start3A_182 = arith.constant 0 : i32
      %dma_start3A_183 = tpu.memref_slice %arg17[%add3A_45, %dma_start3A_182] : memref<10000x128xf32, #tpu.memory_space<vmem_shared>> -> memref<48x128xf32, #tpu.memory_space<vmem_shared>>
      tpu.enqueue_dma source(%arg16 : memref<48x128xf32, #tpu.memory_space<vmem>>) target(%dma_start3A_183 : memref<48x128xf32, #tpu.memory_space<vmem_shared>>) target_semaphore(%run_scoped3A : memref<!tpu.dma_semaphore, #tpu.memory_space<semaphore_mem>>)
      %dma_wait3A_184 = arith.constant 0 : i32
      %dma_wait3A_185 = tpu.memref_slice %arg17[%add3A_45, %dma_wait3A_184] : memref<10000x128xf32, #tpu.memory_space<vmem_shared>> -> memref<48x128xf32, #tpu.memory_space<vmem_shared>>
      %dma_wait3A_186 = arith.constant 0 : i32
      %dma_wait3A_187 = tpu.memref_slice %arg17[%add3A_45, %dma_wait3A_186] : memref<10000x128xf32, #tpu.memory_space<vmem_shared>> -> memref<48x128xf32, #tpu.memory_space<vmem_shared>>
      tpu.wait_dma2 semaphore(%run_scoped3A : memref<!tpu.dma_semaphore, #tpu.memory_space<semaphore_mem>>) src(%arg16 : memref<48x128xf32, #tpu.memory_space<vmem>>) dst(%dma_wait3A_187 : memref<48x128xf32, #tpu.memory_space<vmem_shared>>)
      tpu.yield
    }) : () -> ()
    %mul3A_46 = arith.constant 624 : i32
    %mul3A_47 = arith.muli %arg1, %mul3A_46 : i32
    %add3A_48 = arith.constant 480 : i32
    %add3A_49 = arith.addi %mul3A_47, %add3A_48 : i32
    "tpu.region"() ({
      %run_scoped3A = tpu.sem_alloc : memref<!tpu.dma_semaphore, #tpu.memory_space<semaphore_mem>>
      %dma_start3A_180 = arith.constant 0 : i32
      %dma_start3A_181 = tpu.memref_slice %arg17[%add3A_49, %dma_start3A_180] : memref<10000x128xf32, #tpu.memory_space<vmem_shared>> -> memref<48x128xf32, #tpu.memory_space<vmem_shared>>
      %dma_start3A_182 = arith.constant 0 : i32
      %dma_start3A_183 = tpu.memref_slice %arg17[%add3A_49, %dma_start3A_182] : memref<10000x128xf32, #tpu.memory_space<vmem_shared>> -> memref<48x128xf32, #tpu.memory_space<vmem_shared>>
      tpu.enqueue_dma source(%arg16 : memref<48x128xf32, #tpu.memory_space<vmem>>) target(%dma_start3A_183 : memref<48x128xf32, #tpu.memory_space<vmem_shared>>) target_semaphore(%run_scoped3A : memref<!tpu.dma_semaphore, #tpu.memory_space<semaphore_mem>>)
      %dma_wait3A_184 = arith.constant 0 : i32
      %dma_wait3A_185 = tpu.memref_slice %arg17[%add3A_49, %dma_wait3A_184] : memref<10000x128xf32, #tpu.memory_space<vmem_shared>> -> memref<48x128xf32, #tpu.memory_space<vmem_shared>>
      %dma_wait3A_186 = arith.constant 0 : i32
      %dma_wait3A_187 = tpu.memref_slice %arg17[%add3A_49, %dma_wait3A_186] : memref<10000x128xf32, #tpu.memory_space<vmem_shared>> -> memref<48x128xf32, #tpu.memory_space<vmem_shared>>
      tpu.wait_dma2 semaphore(%run_scoped3A : memref<!tpu.dma_semaphore, #tpu.memory_space<semaphore_mem>>) src(%arg16 : memref<48x128xf32, #tpu.memory_space<vmem>>) dst(%dma_wait3A_187 : memref<48x128xf32, #tpu.memory_space<vmem_shared>>)
      tpu.yield
    }) : () -> ()
    %mul3A_50 = arith.constant 624 : i32
    %mul3A_51 = arith.muli %arg1, %mul3A_50 : i32
    %add3A_52 = arith.constant 528 : i32
    %add3A_53 = arith.addi %mul3A_51, %add3A_52 : i32
    "tpu.region"() ({
      %run_scoped3A = tpu.sem_alloc : memref<!tpu.dma_semaphore, #tpu.memory_space<semaphore_mem>>
      %dma_start3A_180 = arith.constant 0 : i32
      %dma_start3A_181 = tpu.memref_slice %arg17[%add3A_53, %dma_start3A_180] : memref<10000x128xf32, #tpu.memory_space<vmem_shared>> -> memref<48x128xf32, #tpu.memory_space<vmem_shared>>
      %dma_start3A_182 = arith.constant 0 : i32
      %dma_start3A_183 = tpu.memref_slice %arg17[%add3A_53, %dma_start3A_182] : memref<10000x128xf32, #tpu.memory_space<vmem_shared>> -> memref<48x128xf32, #tpu.memory_space<vmem_shared>>
      tpu.enqueue_dma source(%arg16 : memref<48x128xf32, #tpu.memory_space<vmem>>) target(%dma_start3A_183 : memref<48x128xf32, #tpu.memory_space<vmem_shared>>) target_semaphore(%run_scoped3A : memref<!tpu.dma_semaphore, #tpu.memory_space<semaphore_mem>>)
      %dma_wait3A_184 = arith.constant 0 : i32
      %dma_wait3A_185 = tpu.memref_slice %arg17[%add3A_53, %dma_wait3A_184] : memref<10000x128xf32, #tpu.memory_space<vmem_shared>> -> memref<48x128xf32, #tpu.memory_space<vmem_shared>>
      %dma_wait3A_186 = arith.constant 0 : i32
      %dma_wait3A_187 = tpu.memref_slice %arg17[%add3A_53, %dma_wait3A_186] : memref<10000x128xf32, #tpu.memory_space<vmem_shared>> -> memref<48x128xf32, #tpu.memory_space<vmem_shared>>
      tpu.wait_dma2 semaphore(%run_scoped3A : memref<!tpu.dma_semaphore, #tpu.memory_space<semaphore_mem>>) src(%arg16 : memref<48x128xf32, #tpu.memory_space<vmem>>) dst(%dma_wait3A_187 : memref<48x128xf32, #tpu.memory_space<vmem_shared>>)
      tpu.yield
    }) : () -> ()
    %mul3A_54 = arith.constant 624 : i32
    %mul3A_55 = arith.muli %arg1, %mul3A_54 : i32
    %add3A_56 = arith.constant 576 : i32
    %add3A_57 = arith.addi %mul3A_55, %add3A_56 : i32
    "tpu.region"() ({
      %run_scoped3A = tpu.sem_alloc : memref<!tpu.dma_semaphore, #tpu.memory_space<semaphore_mem>>
      %dma_start3A_180 = arith.constant 0 : i32
      %dma_start3A_181 = tpu.memref_slice %arg17[%add3A_57, %dma_start3A_180] : memref<10000x128xf32, #tpu.memory_space<vmem_shared>> -> memref<48x128xf32, #tpu.memory_space<vmem_shared>>
      %dma_start3A_182 = arith.constant 0 : i32
      %dma_start3A_183 = tpu.memref_slice %arg17[%add3A_57, %dma_start3A_182] : memref<10000x128xf32, #tpu.memory_space<vmem_shared>> -> memref<48x128xf32, #tpu.memory_space<vmem_shared>>
      tpu.enqueue_dma source(%arg16 : memref<48x128xf32, #tpu.memory_space<vmem>>) target(%dma_start3A_183 : memref<48x128xf32, #tpu.memory_space<vmem_shared>>) target_semaphore(%run_scoped3A : memref<!tpu.dma_semaphore, #tpu.memory_space<semaphore_mem>>)
      %dma_wait3A_184 = arith.constant 0 : i32
      %dma_wait3A_185 = tpu.memref_slice %arg17[%add3A_57, %dma_wait3A_184] : memref<10000x128xf32, #tpu.memory_space<vmem_shared>> -> memref<48x128xf32, #tpu.memory_space<vmem_shared>>
      %dma_wait3A_186 = arith.constant 0 : i32
      %dma_wait3A_187 = tpu.memref_slice %arg17[%add3A_57, %dma_wait3A_186] : memref<10000x128xf32, #tpu.memory_space<vmem_shared>> -> memref<48x128xf32, #tpu.memory_space<vmem_shared>>
      tpu.wait_dma2 semaphore(%run_scoped3A : memref<!tpu.dma_semaphore, #tpu.memory_space<semaphore_mem>>) src(%arg16 : memref<48x128xf32, #tpu.memory_space<vmem>>) dst(%dma_wait3A_187 : memref<48x128xf32, #tpu.memory_space<vmem_shared>>)
      tpu.yield
    }) : () -> ()
    %eq3A = arith.constant 15 : i32
    %eq3A_58 = arith.cmpi eq, %arg1, %eq3A : i32
    %convert_element_type3A = arith.extui %eq3A_58 : i1 to i32
    %cond3A = arith.constant 0 : i32
    %cond3A_59 = arith.cmpi ne, %convert_element_type3A, %cond3A : i32
    scf.if %cond3A_59 {
      "tpu.region"() ({
        %run_scoped3A = tpu.sem_alloc : memref<!tpu.dma_semaphore, #tpu.memory_space<semaphore_mem>>
        %dma_start3A_180 = arith.constant 0 : i32
        %dma_start3A_181 = arith.constant 0 : i32
        %dma_start3A_182 = tpu.memref_slice %arg16[%dma_start3A_180, %dma_start3A_181] : memref<48x128xf32, #tpu.memory_space<vmem>> -> memref<16x128xf32, #tpu.memory_space<vmem>>
        %dma_start3A_183 = arith.constant 9984 : i32
        %dma_start3A_184 = arith.constant 0 : i32
        %dma_start3A_185 = tpu.memref_slice %arg17[%dma_start3A_183, %dma_start3A_184] : memref<10000x128xf32, #tpu.memory_space<vmem_shared>> -> memref<16x128xf32, #tpu.memory_space<vmem_shared>>
        %dma_start3A_186 = arith.constant 9984 : i32
        %dma_start3A_187 = arith.constant 0 : i32
        %dma_start3A_188 = tpu.memref_slice %arg17[%dma_start3A_186, %dma_start3A_187] : memref<10000x128xf32, #tpu.memory_space<vmem_shared>> -> memref<16x128xf32, #tpu.memory_space<vmem_shared>>
        %dma_start3A_189 = arith.constant 0 : i32
        %dma_start3A_190 = arith.constant 0 : i32
        %dma_start3A_191 = tpu.memref_slice %arg16[%dma_start3A_189, %dma_start3A_190] : memref<48x128xf32, #tpu.memory_space<vmem>> -> memref<16x128xf32, #tpu.memory_space<vmem>>
        tpu.enqueue_dma source(%dma_start3A_191 : memref<16x128xf32, #tpu.memory_space<vmem>>) target(%dma_start3A_188 : memref<16x128xf32, #tpu.memory_space<vmem_shared>>) target_semaphore(%run_scoped3A : memref<!tpu.dma_semaphore, #tpu.memory_space<semaphore_mem>>)
        %dma_wait3A_192 = arith.constant 0 : i32
        %dma_wait3A_193 = arith.constant 0 : i32
        %dma_wait3A_194 = tpu.memref_slice %arg16[%dma_wait3A_192, %dma_wait3A_193] : memref<48x128xf32, #tpu.memory_space<vmem>> -> memref<16x128xf32, #tpu.memory_space<vmem>>
        %dma_wait3A_195 = arith.constant 9984 : i32
        %dma_wait3A_196 = arith.constant 0 : i32
        %dma_wait3A_197 = tpu.memref_slice %arg17[%dma_wait3A_195, %dma_wait3A_196] : memref<10000x128xf32, #tpu.memory_space<vmem_shared>> -> memref<16x128xf32, #tpu.memory_space<vmem_shared>>
        %dma_wait3A_198 = arith.constant 9984 : i32
        %dma_wait3A_199 = arith.constant 0 : i32
        %dma_wait3A_200 = tpu.memref_slice %arg17[%dma_wait3A_198, %dma_wait3A_199] : memref<10000x128xf32, #tpu.memory_space<vmem_shared>> -> memref<16x128xf32, #tpu.memory_space<vmem_shared>>
        %dma_wait3A_201 = arith.constant 0 : i32
        %dma_wait3A_202 = arith.constant 0 : i32
        %dma_wait3A_203 = tpu.memref_slice %arg16[%dma_wait3A_201, %dma_wait3A_202] : memref<48x128xf32, #tpu.memory_space<vmem>> -> memref<16x128xf32, #tpu.memory_space<vmem>>
        tpu.wait_dma2 semaphore(%run_scoped3A : memref<!tpu.dma_semaphore, #tpu.memory_space<semaphore_mem>>) src(%dma_wait3A_203 : memref<16x128xf32, #tpu.memory_space<vmem>>) dst(%dma_wait3A_200 : memref<16x128xf32, #tpu.memory_space<vmem_shared>>)
        tpu.yield
      }) : () -> ()
    } else {
    }
    %barrier3A = arith.constant 0 : index
    tpu.barrier barrier_id(%barrier3A)
    %mul3A_60 = arith.constant 10000 : i32
    %mul3A_61 = arith.muli %add3A, %mul3A_60 : i32
    %add3A_62 = arith.constant 0 : i32
    %add3A_63 = arith.addi %mul3A_61, %add3A_62 : i32
    %dma_start3A = tpu.memref_slice %arg4[%add3A_63] : memref<640000xi32, #tpu.memory_space<hbm>> -> memref<80xi32, #tpu.memory_space<hbm>>
    %dma_start3A_64 = tpu.memref_slice %arg4[%add3A_63] : memref<640000xi32, #tpu.memory_space<hbm>> -> memref<80xi32, #tpu.memory_space<hbm>>
    tpu.enqueue_dma source(%dma_start3A_64 : memref<80xi32, #tpu.memory_space<hbm>>) target(%arg6 : memref<80xi32, #tpu.memory_space<vmem>>) target_semaphore(%arg24 : memref<!tpu.dma_semaphore, #tpu.memory_space<semaphore_mem>>)
    %add3A_65 = arith.constant 320000 : i32
    %add3A_66 = arith.addi %add3A_65, %add3A_63 : i32
    %dma_start3A_67 = tpu.memref_slice %arg4[%add3A_66] : memref<640000xi32, #tpu.memory_space<hbm>> -> memref<80xi32, #tpu.memory_space<hbm>>
    %dma_start3A_68 = tpu.memref_slice %arg4[%add3A_66] : memref<640000xi32, #tpu.memory_space<hbm>> -> memref<80xi32, #tpu.memory_space<hbm>>
    tpu.enqueue_dma source(%dma_start3A_68 : memref<80xi32, #tpu.memory_space<hbm>>) target(%arg8 : memref<80xi32, #tpu.memory_space<vmem>>) target_semaphore(%arg26 : memref<!tpu.dma_semaphore, #tpu.memory_space<semaphore_mem>>)
    %mul3A_69 = arith.constant 10000 : i32
    %mul3A_70 = arith.muli %add3A, %mul3A_69 : i32
    %add3A_71 = arith.constant 80 : i32
    %add3A_72 = arith.addi %mul3A_70, %add3A_71 : i32
    %dma_start3A_73 = tpu.memref_slice %arg4[%add3A_72] : memref<640000xi32, #tpu.memory_space<hbm>> -> memref<80xi32, #tpu.memory_space<hbm>>
    %dma_start3A_74 = tpu.memref_slice %arg4[%add3A_72] : memref<640000xi32, #tpu.memory_space<hbm>> -> memref<80xi32, #tpu.memory_space<hbm>>
    tpu.enqueue_dma source(%dma_start3A_74 : memref<80xi32, #tpu.memory_space<hbm>>) target(%arg7 : memref<80xi32, #tpu.memory_space<vmem>>) target_semaphore(%arg25 : memref<!tpu.dma_semaphore, #tpu.memory_space<semaphore_mem>>)
    %add3A_75 = arith.constant 320000 : i32
    %add3A_76 = arith.addi %add3A_75, %add3A_72 : i32
    %dma_start3A_77 = tpu.memref_slice %arg4[%add3A_76] : memref<640000xi32, #tpu.memory_space<hbm>> -> memref<80xi32, #tpu.memory_space<hbm>>
    %dma_start3A_78 = tpu.memref_slice %arg4[%add3A_76] : memref<640000xi32, #tpu.memory_space<hbm>> -> memref<80xi32, #tpu.memory_space<hbm>>
    tpu.enqueue_dma source(%dma_start3A_78 : memref<80xi32, #tpu.memory_space<hbm>>) target(%arg9 : memref<80xi32, #tpu.memory_space<vmem>>) target_semaphore(%arg27 : memref<!tpu.dma_semaphore, #tpu.memory_space<semaphore_mem>>)
    %mul3A_79 = arith.constant 10000 : i32
    %mul3A_80 = arith.muli %add3A, %mul3A_79 : i32
    %add3A_81 = arith.constant 0 : i32
    %add3A_82 = arith.addi %mul3A_80, %add3A_81 : i32
    %dma_wait3A = tpu.memref_slice %arg4[%add3A_82] : memref<640000xi32, #tpu.memory_space<hbm>> -> memref<80xi32, #tpu.memory_space<hbm>>
    %dma_wait3A_83 = tpu.memref_slice %arg4[%add3A_82] : memref<640000xi32, #tpu.memory_space<hbm>> -> memref<80xi32, #tpu.memory_space<hbm>>
    tpu.wait_dma2 semaphore(%arg24 : memref<!tpu.dma_semaphore, #tpu.memory_space<semaphore_mem>>) src(%dma_wait3A_83 : memref<80xi32, #tpu.memory_space<hbm>>) dst(%arg6 : memref<80xi32, #tpu.memory_space<vmem>>)
    %add3A_84 = arith.constant 320000 : i32
    %add3A_85 = arith.addi %add3A_84, %add3A_82 : i32
    %dma_wait3A_86 = tpu.memref_slice %arg4[%add3A_85] : memref<640000xi32, #tpu.memory_space<hbm>> -> memref<80xi32, #tpu.memory_space<hbm>>
    %dma_wait3A_87 = tpu.memref_slice %arg4[%add3A_85] : memref<640000xi32, #tpu.memory_space<hbm>> -> memref<80xi32, #tpu.memory_space<hbm>>
    tpu.wait_dma2 semaphore(%arg26 : memref<!tpu.dma_semaphore, #tpu.memory_space<semaphore_mem>>) src(%dma_wait3A_87 : memref<80xi32, #tpu.memory_space<hbm>>) dst(%arg8 : memref<80xi32, #tpu.memory_space<vmem>>)
    %dma_start3A_88 = arith.constant 0 : i32
    %dma_start3A_89 = arith.constant 0 : i32
    %dma_start3A_90 = tpu.memref_slice %arg2[%dma_start3A_88, %dma_start3A_89] : memref<10000x128xf32, #tpu.memory_space<hbm>> -> memref<10000x128xf32, #tpu.memory_space<hbm>>
    tpu.enqueue_indirect_dma source(%dma_start3A_90 : memref<10000x128xf32, #tpu.memory_space<hbm>>) target(%arg12 : memref<80x128xf32, #tpu.memory_space<vmem>>) offsets(%arg6 : memref<80xi32, #tpu.memory_space<vmem>>) semaphore(%arg18 : memref<!tpu.dma_semaphore, #tpu.memory_space<semaphore_mem>>)
    %dma_start3A_91 = arith.constant 0 : i32
    %dma_start3A_92 = arith.constant 0 : i32
    %dma_start3A_93 = tpu.memref_slice %arg3[%dma_start3A_91, %dma_start3A_92] : memref<10000x128xf32, #tpu.memory_space<hbm>> -> memref<10000x128xf32, #tpu.memory_space<hbm>>
    tpu.enqueue_indirect_dma source(%dma_start3A_93 : memref<10000x128xf32, #tpu.memory_space<hbm>>) target(%arg14 : memref<80x128xf32, #tpu.memory_space<vmem>>) offsets(%arg8 : memref<80xi32, #tpu.memory_space<vmem>>) semaphore(%arg20 : memref<!tpu.dma_semaphore, #tpu.memory_space<semaphore_mem>>)
    %scan3A_94 = arith.constant 0 : i32
    %scan3A_95 = arith.constant 0 : i32
    %scan3A_96 = arith.constant 62 : i32
    %scan3A_97 = arith.addi %scan3A_95, %scan3A_96 : i32
    %scan3A_98 = arith.constant 1 : i32
    scf.for %scan3A_180 = %scan3A_95 to %scan3A_97 step %scan3A_98  : i32 {
      %mul3A_181 = arith.constant 2 : i32
      %mul3A_182 = arith.muli %mul3A_181, %scan3A_180 : i32
      %dma_wait3A_183 = arith.constant 0 : i32
      %dma_wait3A_184 = arith.constant 0 : i32
      %dma_wait3A_185 = tpu.memref_slice %arg2[%dma_wait3A_183, %dma_wait3A_184] : memref<10000x128xf32, #tpu.memory_space<hbm>> -> memref<10000x128xf32, #tpu.memory_space<hbm>>
      tpu.wait_indirect_dma semaphore(%arg18 : memref<!tpu.dma_semaphore, #tpu.memory_space<semaphore_mem>>) src(%dma_wait3A_185 : memref<10000x128xf32, #tpu.memory_space<hbm>>) dst(%arg12 : memref<80x128xf32, #tpu.memory_space<vmem>>)
      %dma_wait3A_186 = arith.constant 0 : i32
      %dma_wait3A_187 = arith.constant 0 : i32
      %dma_wait3A_188 = tpu.memref_slice %arg3[%dma_wait3A_186, %dma_wait3A_187] : memref<10000x128xf32, #tpu.memory_space<hbm>> -> memref<10000x128xf32, #tpu.memory_space<hbm>>
      tpu.wait_indirect_dma semaphore(%arg20 : memref<!tpu.dma_semaphore, #tpu.memory_space<semaphore_mem>>) src(%dma_wait3A_188 : memref<10000x128xf32, #tpu.memory_space<hbm>>) dst(%arg14 : memref<80x128xf32, #tpu.memory_space<vmem>>)
      %gt3A = arith.constant 0 : i32
      %gt3A_189 = arith.cmpi sgt, %scan3A_180, %gt3A : i32
      %convert_element_type3A_190 = arith.extui %gt3A_189 : i1 to i32
      %cond3A_191 = arith.constant 0 : i32
      %cond3A_192 = arith.cmpi ne, %convert_element_type3A_190, %cond3A_191 : i32
      scf.if %cond3A_192 {
        %dma_wait3A_331 = arith.constant 0 : i32
        %dma_wait3A_332 = arith.constant 0 : i32
        %dma_wait3A_333 = tpu.memref_slice %arg17[%dma_wait3A_331, %dma_wait3A_332] : memref<10000x128xf32, #tpu.memory_space<vmem_shared>> -> memref<10000x128xf32, #tpu.memory_space<vmem_shared>>
        tpu.wait_indirect_dma semaphore(%arg23 : memref<!tpu.dma_semaphore, #tpu.memory_space<semaphore_mem>>) src(%arg13 : memref<80x128xf32, #tpu.memory_space<vmem>>) dst(%dma_wait3A_333 : memref<10000x128xf32, #tpu.memory_space<vmem_shared>>)
      } else {
      }
      %add3A_193 = arith.constant 1 : i32
      %add3A_194 = arith.addi %mul3A_182, %add3A_193 : i32
      %mul3A_195 = arith.constant 10000 : i32
      %mul3A_196 = arith.muli %add3A, %mul3A_195 : i32
      %mul3A_197 = arith.constant 80 : i32
      %mul3A_198 = arith.muli %add3A_194, %mul3A_197 : i32
      %add3A_199 = arith.addi %mul3A_196, %mul3A_198 : i32
      %dma_wait3A_200 = tpu.memref_slice %arg4[%add3A_199] : memref<640000xi32, #tpu.memory_space<hbm>> -> memref<80xi32, #tpu.memory_space<hbm>>
      %dma_wait3A_201 = tpu.memref_slice %arg4[%add3A_199] : memref<640000xi32, #tpu.memory_space<hbm>> -> memref<80xi32, #tpu.memory_space<hbm>>
      tpu.wait_dma2 semaphore(%arg25 : memref<!tpu.dma_semaphore, #tpu.memory_space<semaphore_mem>>) src(%dma_wait3A_201 : memref<80xi32, #tpu.memory_space<hbm>>) dst(%arg7 : memref<80xi32, #tpu.memory_space<vmem>>)
      %add3A_202 = arith.constant 320000 : i32
      %add3A_203 = arith.addi %add3A_202, %add3A_199 : i32
      %dma_wait3A_204 = tpu.memref_slice %arg4[%add3A_203] : memref<640000xi32, #tpu.memory_space<hbm>> -> memref<80xi32, #tpu.memory_space<hbm>>
      %dma_wait3A_205 = tpu.memref_slice %arg4[%add3A_203] : memref<640000xi32, #tpu.memory_space<hbm>> -> memref<80xi32, #tpu.memory_space<hbm>>
      tpu.wait_dma2 semaphore(%arg27 : memref<!tpu.dma_semaphore, #tpu.memory_space<semaphore_mem>>) src(%dma_wait3A_205 : memref<80xi32, #tpu.memory_space<hbm>>) dst(%arg9 : memref<80xi32, #tpu.memory_space<vmem>>)
      %dma_start3A_206 = arith.constant 0 : i32
      %dma_start3A_207 = arith.constant 0 : i32
      %dma_start3A_208 = tpu.memref_slice %arg2[%dma_start3A_206, %dma_start3A_207] : memref<10000x128xf32, #tpu.memory_space<hbm>> -> memref<10000x128xf32, #tpu.memory_space<hbm>>
      tpu.enqueue_indirect_dma source(%dma_start3A_208 : memref<10000x128xf32, #tpu.memory_space<hbm>>) target(%arg13 : memref<80x128xf32, #tpu.memory_space<vmem>>) offsets(%arg7 : memref<80xi32, #tpu.memory_space<vmem>>) semaphore(%arg19 : memref<!tpu.dma_semaphore, #tpu.memory_space<semaphore_mem>>)
      %dma_start3A_209 = arith.constant 0 : i32
      %dma_start3A_210 = arith.constant 0 : i32
      %dma_start3A_211 = tpu.memref_slice %arg3[%dma_start3A_209, %dma_start3A_210] : memref<10000x128xf32, #tpu.memory_space<hbm>> -> memref<10000x128xf32, #tpu.memory_space<hbm>>
      tpu.enqueue_indirect_dma source(%dma_start3A_211 : memref<10000x128xf32, #tpu.memory_space<hbm>>) target(%arg15 : memref<80x128xf32, #tpu.memory_space<vmem>>) offsets(%arg9 : memref<80xi32, #tpu.memory_space<vmem>>) semaphore(%arg21 : memref<!tpu.dma_semaphore, #tpu.memory_space<semaphore_mem>>)
      %get3A_212 = arith.constant 0 : index
      %get3A_213 = tpu.vector_load %arg8[%get3A_212] {strides = array<i32>} : memref<80xi32, #tpu.memory_space<vmem>>, vector<16xi32>,
      %get3A_214 = vector.shape_cast %get3A_213 : vector<16xi32> to vector<16xi32>
      %swap3A_215 = arith.constant 0 : index
      %swap3A_216 = tpu.vector_load %arg10[%swap3A_215] {strides = array<i32>} : memref<80xi32, #tpu.memory_space<vmem>>, vector<16xi32>,
      %swap3A_217 = vector.shape_cast %swap3A_216 : vector<16xi32> to vector<16xi32>
      %swap3A_218 = vector.shape_cast %get3A_214 : vector<16xi32> to vector<16xi32>
      tpu.vector_store %arg10[%swap3A_215], %swap3A_218 {strides = array<i32>} : memref<80xi32, #tpu.memory_space<vmem>>, vector<16xi32>,
      %get3A_219 = arith.constant 16 : index
      %get3A_220 = tpu.vector_load %arg8[%get3A_219] {strides = array<i32>} : memref<80xi32, #tpu.memory_space<vmem>>, vector<16xi32>,
      %get3A_221 = vector.shape_cast %get3A_220 : vector<16xi32> to vector<16xi32>
      %swap3A_222 = arith.constant 16 : index
      %swap3A_223 = tpu.vector_load %arg10[%swap3A_222] {strides = array<i32>} : memref<80xi32, #tpu.memory_space<vmem>>, vector<16xi32>,
      %swap3A_224 = vector.shape_cast %swap3A_223 : vector<16xi32> to vector<16xi32>
      %swap3A_225 = vector.shape_cast %get3A_221 : vector<16xi32> to vector<16xi32>
      tpu.vector_store %arg10[%swap3A_222], %swap3A_225 {strides = array<i32>} : memref<80xi32, #tpu.memory_space<vmem>>, vector<16xi32>,
      %get3A_226 = arith.constant 32 : index
      %get3A_227 = tpu.vector_load %arg8[%get3A_226] {strides = array<i32>} : memref<80xi32, #tpu.memory_space<vmem>>, vector<16xi32>,
      %get3A_228 = vector.shape_cast %get3A_227 : vector<16xi32> to vector<16xi32>
      %swap3A_229 = arith.constant 32 : index
      %swap3A_230 = tpu.vector_load %arg10[%swap3A_229] {strides = array<i32>} : memref<80xi32, #tpu.memory_space<vmem>>, vector<16xi32>,
      %swap3A_231 = vector.shape_cast %swap3A_230 : vector<16xi32> to vector<16xi32>
      %swap3A_232 = vector.shape_cast %get3A_228 : vector<16xi32> to vector<16xi32>
      tpu.vector_store %arg10[%swap3A_229], %swap3A_232 {strides = array<i32>} : memref<80xi32, #tpu.memory_space<vmem>>, vector<16xi32>,
      %get3A_233 = arith.constant 48 : index
      %get3A_234 = tpu.vector_load %arg8[%get3A_233] {strides = array<i32>} : memref<80xi32, #tpu.memory_space<vmem>>, vector<16xi32>,
      %get3A_235 = vector.shape_cast %get3A_234 : vector<16xi32> to vector<16xi32>
      %swap3A_236 = arith.constant 48 : index
      %swap3A_237 = tpu.vector_load %arg10[%swap3A_236] {strides = array<i32>} : memref<80xi32, #tpu.memory_space<vmem>>, vector<16xi32>,
      %swap3A_238 = vector.shape_cast %swap3A_237 : vector<16xi32> to vector<16xi32>
      %swap3A_239 = vector.shape_cast %get3A_235 : vector<16xi32> to vector<16xi32>
      tpu.vector_store %arg10[%swap3A_236], %swap3A_239 {strides = array<i32>} : memref<80xi32, #tpu.memory_space<vmem>>, vector<16xi32>,
      %get3A_240 = arith.constant 64 : index
      %get3A_241 = tpu.vector_load %arg8[%get3A_240] {strides = array<i32>} : memref<80xi32, #tpu.memory_space<vmem>>, vector<16xi32>,
      %get3A_242 = vector.shape_cast %get3A_241 : vector<16xi32> to vector<16xi32>
      %swap3A_243 = arith.constant 64 : index
      %swap3A_244 = tpu.vector_load %arg10[%swap3A_243] {strides = array<i32>} : memref<80xi32, #tpu.memory_space<vmem>>, vector<16xi32>,
      %swap3A_245 = vector.shape_cast %swap3A_244 : vector<16xi32> to vector<16xi32>
      %swap3A_246 = vector.shape_cast %get3A_242 : vector<16xi32> to vector<16xi32>
      tpu.vector_store %arg10[%swap3A_243], %swap3A_246 {strides = array<i32>} : memref<80xi32, #tpu.memory_space<vmem>>, vector<16xi32>,
      %scan3A_247 = arith.constant 0 : i32
      %scan3A_248 = arith.constant 0 : i32
      %scan3A_249 = arith.constant 80 : i32
      %scan3A_250 = arith.addi %scan3A_248, %scan3A_249 : i32
      %scan3A_251 = arith.constant 1 : i32
      scf.for %scan3A_331 = %scan3A_248 to %scan3A_250 step %scan3A_251  : i32 {
        %get3A_332 = arith.index_cast %scan3A_331 : i32 to index
        %get3A_333 = arith.constant 0 : index
        %get3A_334 = tpu.vector_load %arg12[%get3A_332, %get3A_333] {strides = array<i32>} : memref<80x128xf32, #tpu.memory_space<vmem>>, vector<1x16xf32>,
        %get3A_335 = vector.shape_cast %get3A_334 : vector<1x16xf32> to vector<16xf32>
        %get3A_336 = arith.index_cast %scan3A_331 : i32 to index
        %get3A_337 = arith.constant 0 : index
        %get3A_338 = tpu.vector_load %arg14[%get3A_336, %get3A_337] {strides = array<i32>} : memref<80x128xf32, #tpu.memory_space<vmem>>, vector<1x16xf32>,
        %get3A_339 = vector.shape_cast %get3A_338 : vector<1x16xf32> to vector<16xf32>
        %add3A_340 = arith.addf %get3A_335, %get3A_339 : vector<16xf32>
        %max3A = arith.constant 0.000000e+00 : f32
        %max3A_341 = vector.broadcast %max3A : f32 to vector<16xf32>
        %max3A_342 = arith.maximumf %add3A_340, %max3A_341 : vector<16xf32>
        %swap3A_343 = arith.index_cast %scan3A_331 : i32 to index
        %swap3A_344 = arith.constant 0 : index
        %swap3A_345 = tpu.vector_load %arg12[%swap3A_343, %swap3A_344] {strides = array<i32>} : memref<80x128xf32, #tpu.memory_space<vmem>>, vector<1x16xf32>,
        %swap3A_346 = vector.shape_cast %swap3A_345 : vector<1x16xf32> to vector<16xf32>
        %swap3A_347 = vector.shape_cast %max3A_342 : vector<16xf32> to vector<1x16xf32>
        tpu.vector_store %arg12[%swap3A_343, %swap3A_344], %swap3A_347 {strides = array<i32>} : memref<80x128xf32, #tpu.memory_space<vmem>>, vector<1x16xf32>,
        %get3A_348 = arith.index_cast %scan3A_331 : i32 to index
        %get3A_349 = arith.constant 16 : index
        %get3A_350 = tpu.vector_load %arg12[%get3A_348, %get3A_349] {strides = array<i32>} : memref<80x128xf32, #tpu.memory_space<vmem>>, vector<1x16xf32>,
        %get3A_351 = vector.shape_cast %get3A_350 : vector<1x16xf32> to vector<16xf32>
        %get3A_352 = arith.index_cast %scan3A_331 : i32 to index
        %get3A_353 = arith.constant 16 : index
        %get3A_354 = tpu.vector_load %arg14[%get3A_352, %get3A_353] {strides = array<i32>} : memref<80x128xf32, #tpu.memory_space<vmem>>, vector<1x16xf32>,
        %get3A_355 = vector.shape_cast %get3A_354 : vector<1x16xf32> to vector<16xf32>
        %add3A_356 = arith.addf %get3A_351, %get3A_355 : vector<16xf32>
        %max3A_357 = arith.constant 0.000000e+00 : f32
        %max3A_358 = vector.broadcast %max3A_357 : f32 to vector<16xf32>
        %max3A_359 = arith.maximumf %add3A_356, %max3A_358 : vector<16xf32>
        %swap3A_360 = arith.index_cast %scan3A_331 : i32 to index
        %swap3A_361 = arith.constant 16 : index
        %swap3A_362 = tpu.vector_load %arg12[%swap3A_360, %swap3A_361] {strides = array<i32>} : memref<80x128xf32, #tpu.memory_space<vmem>>, vector<1x16xf32>,
        %swap3A_363 = vector.shape_cast %swap3A_362 : vector<1x16xf32> to vector<16xf32>
        %swap3A_364 = vector.shape_cast %max3A_359 : vector<16xf32> to vector<1x16xf32>
        tpu.vector_store %arg12[%swap3A_360, %swap3A_361], %swap3A_364 {strides = array<i32>} : memref<80x128xf32, #tpu.memory_space<vmem>>, vector<1x16xf32>,
        %get3A_365 = arith.index_cast %scan3A_331 : i32 to index
        %get3A_366 = arith.constant 32 : index
        %get3A_367 = tpu.vector_load %arg12[%get3A_365, %get3A_366] {strides = array<i32>} : memref<80x128xf32, #tpu.memory_space<vmem>>, vector<1x16xf32>,
        %get3A_368 = vector.shape_cast %get3A_367 : vector<1x16xf32> to vector<16xf32>
        %get3A_369 = arith.index_cast %scan3A_331 : i32 to index
        %get3A_370 = arith.constant 32 : index
        %get3A_371 = tpu.vector_load %arg14[%get3A_369, %get3A_370] {strides = array<i32>} : memref<80x128xf32, #tpu.memory_space<vmem>>, vector<1x16xf32>,
        %get3A_372 = vector.shape_cast %get3A_371 : vector<1x16xf32> to vector<16xf32>
        %add3A_373 = arith.addf %get3A_368, %get3A_372 : vector<16xf32>
        %max3A_374 = arith.constant 0.000000e+00 : f32
        %max3A_375 = vector.broadcast %max3A_374 : f32 to vector<16xf32>
        %max3A_376 = arith.maximumf %add3A_373, %max3A_375 : vector<16xf32>
        %swap3A_377 = arith.index_cast %scan3A_331 : i32 to index
        %swap3A_378 = arith.constant 32 : index
        %swap3A_379 = tpu.vector_load %arg12[%swap3A_377, %swap3A_378] {strides = array<i32>} : memref<80x128xf32, #tpu.memory_space<vmem>>, vector<1x16xf32>,
        %swap3A_380 = vector.shape_cast %swap3A_379 : vector<1x16xf32> to vector<16xf32>
        %swap3A_381 = vector.shape_cast %max3A_376 : vector<16xf32> to vector<1x16xf32>
        tpu.vector_store %arg12[%swap3A_377, %swap3A_378], %swap3A_381 {strides = array<i32>} : memref<80x128xf32, #tpu.memory_space<vmem>>, vector<1x16xf32>,
        %get3A_382 = arith.index_cast %scan3A_331 : i32 to index
        %get3A_383 = arith.constant 48 : index
        %get3A_384 = tpu.vector_load %arg12[%get3A_382, %get3A_383] {strides = array<i32>} : memref<80x128xf32, #tpu.memory_space<vmem>>, vector<1x16xf32>,
        %get3A_385 = vector.shape_cast %get3A_384 : vector<1x16xf32> to vector<16xf32>
        %get3A_386 = arith.index_cast %scan3A_331 : i32 to index
        %get3A_387 = arith.constant 48 : index
        %get3A_388 = tpu.vector_load %arg14[%get3A_386, %get3A_387] {strides = array<i32>} : memref<80x128xf32, #tpu.memory_space<vmem>>, vector<1x16xf32>,
        %get3A_389 = vector.shape_cast %get3A_388 : vector<1x16xf32> to vector<16xf32>
        %add3A_390 = arith.addf %get3A_385, %get3A_389 : vector<16xf32>
        %max3A_391 = arith.constant 0.000000e+00 : f32
        %max3A_392 = vector.broadcast %max3A_391 : f32 to vector<16xf32>
        %max3A_393 = arith.maximumf %add3A_390, %max3A_392 : vector<16xf32>
        %swap3A_394 = arith.index_cast %scan3A_331 : i32 to index
        %swap3A_395 = arith.constant 48 : index
        %swap3A_396 = tpu.vector_load %arg12[%swap3A_394, %swap3A_395] {strides = array<i32>} : memref<80x128xf32, #tpu.memory_space<vmem>>, vector<1x16xf32>,
        %swap3A_397 = vector.shape_cast %swap3A_396 : vector<1x16xf32> to vector<16xf32>
        %swap3A_398 = vector.shape_cast %max3A_393 : vector<16xf32> to vector<1x16xf32>
        tpu.vector_store %arg12[%swap3A_394, %swap3A_395], %swap3A_398 {strides = array<i32>} : memref<80x128xf32, #tpu.memory_space<vmem>>, vector<1x16xf32>,
        %get3A_399 = arith.index_cast %scan3A_331 : i32 to index
        %get3A_400 = arith.constant 64 : index
        %get3A_401 = tpu.vector_load %arg12[%get3A_399, %get3A_400] {strides = array<i32>} : memref<80x128xf32, #tpu.memory_space<vmem>>, vector<1x16xf32>,
        %get3A_402 = vector.shape_cast %get3A_401 : vector<1x16xf32> to vector<16xf32>
        %get3A_403 = arith.index_cast %scan3A_331 : i32 to index
        %get3A_404 = arith.constant 64 : index
        %get3A_405 = tpu.vector_load %arg14[%get3A_403, %get3A_404] {strides = array<i32>} : memref<80x128xf32, #tpu.memory_space<vmem>>, vector<1x16xf32>,
        %get3A_406 = vector.shape_cast %get3A_405 : vector<1x16xf32> to vector<16xf32>
        %add3A_407 = arith.addf %get3A_402, %get3A_406 : vector<16xf32>
        %max3A_408 = arith.constant 0.000000e+00 : f32
        %max3A_409 = vector.broadcast %max3A_408 : f32 to vector<16xf32>
        %max3A_410 = arith.maximumf %add3A_407, %max3A_409 : vector<16xf32>
        %swap3A_411 = arith.index_cast %scan3A_331 : i32 to index
        %swap3A_412 = arith.constant 64 : index
        %swap3A_413 = tpu.vector_load %arg12[%swap3A_411, %swap3A_412] {strides = array<i32>} : memref<80x128xf32, #tpu.memory_space<vmem>>, vector<1x16xf32>,
        %swap3A_414 = vector.shape_cast %swap3A_413 : vector<1x16xf32> to vector<16xf32>
        %swap3A_415 = vector.shape_cast %max3A_410 : vector<16xf32> to vector<1x16xf32>
        tpu.vector_store %arg12[%swap3A_411, %swap3A_412], %swap3A_415 {strides = array<i32>} : memref<80x128xf32, #tpu.memory_space<vmem>>, vector<1x16xf32>,
        %get3A_416 = arith.index_cast %scan3A_331 : i32 to index
        %get3A_417 = arith.constant 80 : index
        %get3A_418 = tpu.vector_load %arg12[%get3A_416, %get3A_417] {strides = array<i32>} : memref<80x128xf32, #tpu.memory_space<vmem>>, vector<1x16xf32>,
        %get3A_419 = vector.shape_cast %get3A_418 : vector<1x16xf32> to vector<16xf32>
        %get3A_420 = arith.index_cast %scan3A_331 : i32 to index
        %get3A_421 = arith.constant 80 : index
        %get3A_422 = tpu.vector_load %arg14[%get3A_420, %get3A_421] {strides = array<i32>} : memref<80x128xf32, #tpu.memory_space<vmem>>, vector<1x16xf32>,
        %get3A_423 = vector.shape_cast %get3A_422 : vector<1x16xf32> to vector<16xf32>
        %add3A_424 = arith.addf %get3A_419, %get3A_423 : vector<16xf32>
        %max3A_425 = arith.constant 0.000000e+00 : f32
        %max3A_426 = vector.broadcast %max3A_425 : f32 to vector<16xf32>
        %max3A_427 = arith.maximumf %add3A_424, %max3A_426 : vector<16xf32>
        %swap3A_428 = arith.index_cast %scan3A_331 : i32 to index
        %swap3A_429 = arith.constant 80 : index
        %swap3A_430 = tpu.vector_load %arg12[%swap3A_428, %swap3A_429] {strides = array<i32>} : memref<80x128xf32, #tpu.memory_space<vmem>>, vector<1x16xf32>,
        %swap3A_431 = vector.shape_cast %swap3A_430 : vector<1x16xf32> to vector<16xf32>
        %swap3A_432 = vector.shape_cast %max3A_427 : vector<16xf32> to vector<1x16xf32>
        tpu.vector_store %arg12[%swap3A_428, %swap3A_429], %swap3A_432 {strides = array<i32>} : memref<80x128xf32, #tpu.memory_space<vmem>>, vector<1x16xf32>,
        %get3A_433 = arith.index_cast %scan3A_331 : i32 to index
        %get3A_434 = arith.constant 96 : index
        %get3A_435 = tpu.vector_load %arg12[%get3A_433, %get3A_434] {strides = array<i32>} : memref<80x128xf32, #tpu.memory_space<vmem>>, vector<1x16xf32>,
        %get3A_436 = vector.shape_cast %get3A_435 : vector<1x16xf32> to vector<16xf32>
        %get3A_437 = arith.index_cast %scan3A_331 : i32 to index
        %get3A_438 = arith.constant 96 : index
        %get3A_439 = tpu.vector_load %arg14[%get3A_437, %get3A_438] {strides = array<i32>} : memref<80x128xf32, #tpu.memory_space<vmem>>, vector<1x16xf32>,
        %get3A_440 = vector.shape_cast %get3A_439 : vector<1x16xf32> to vector<16xf32>
        %add3A_441 = arith.addf %get3A_436, %get3A_440 : vector<16xf32>
        %max3A_442 = arith.constant 0.000000e+00 : f32
        %max3A_443 = vector.broadcast %max3A_442 : f32 to vector<16xf32>
        %max3A_444 = arith.maximumf %add3A_441, %max3A_443 : vector<16xf32>
        %swap3A_445 = arith.index_cast %scan3A_331 : i32 to index
        %swap3A_446 = arith.constant 96 : index
        %swap3A_447 = tpu.vector_load %arg12[%swap3A_445, %swap3A_446] {strides = array<i32>} : memref<80x128xf32, #tpu.memory_space<vmem>>, vector<1x16xf32>,
        %swap3A_448 = vector.shape_cast %swap3A_447 : vector<1x16xf32> to vector<16xf32>
        %swap3A_449 = vector.shape_cast %max3A_444 : vector<16xf32> to vector<1x16xf32>
        tpu.vector_store %arg12[%swap3A_445, %swap3A_446], %swap3A_449 {strides = array<i32>} : memref<80x128xf32, #tpu.memory_space<vmem>>, vector<1x16xf32>,
        %get3A_450 = arith.index_cast %scan3A_331 : i32 to index
        %get3A_451 = arith.constant 112 : index
        %get3A_452 = tpu.vector_load %arg12[%get3A_450, %get3A_451] {strides = array<i32>} : memref<80x128xf32, #tpu.memory_space<vmem>>, vector<1x16xf32>,
        %get3A_453 = vector.shape_cast %get3A_452 : vector<1x16xf32> to vector<16xf32>
        %get3A_454 = arith.index_cast %scan3A_331 : i32 to index
        %get3A_455 = arith.constant 112 : index
        %get3A_456 = tpu.vector_load %arg14[%get3A_454, %get3A_455] {strides = array<i32>} : memref<80x128xf32, #tpu.memory_space<vmem>>, vector<1x16xf32>,
        %get3A_457 = vector.shape_cast %get3A_456 : vector<1x16xf32> to vector<16xf32>
        %add3A_458 = arith.addf %get3A_453, %get3A_457 : vector<16xf32>
        %max3A_459 = arith.constant 0.000000e+00 : f32
        %max3A_460 = vector.broadcast %max3A_459 : f32 to vector<16xf32>
        %max3A_461 = arith.maximumf %add3A_458, %max3A_460 : vector<16xf32>
        %swap3A_462 = arith.index_cast %scan3A_331 : i32 to index
        %swap3A_463 = arith.constant 112 : index
        %swap3A_464 = tpu.vector_load %arg12[%swap3A_462, %swap3A_463] {strides = array<i32>} : memref<80x128xf32, #tpu.memory_space<vmem>>, vector<1x16xf32>,
        %swap3A_465 = vector.shape_cast %swap3A_464 : vector<1x16xf32> to vector<16xf32>
        %swap3A_466 = vector.shape_cast %max3A_461 : vector<16xf32> to vector<1x16xf32>
        tpu.vector_store %arg12[%swap3A_462, %swap3A_463], %swap3A_466 {strides = array<i32>} : memref<80x128xf32, #tpu.memory_space<vmem>>, vector<1x16xf32>,
      }
      %scan3A_252 = arith.constant 80 : i32
      %dma_start3A_253 = arith.constant 0 : i32
      %dma_start3A_254 = arith.constant 0 : i32
      %dma_start3A_255 = tpu.memref_slice %arg17[%dma_start3A_253, %dma_start3A_254] : memref<10000x128xf32, #tpu.memory_space<vmem_shared>> -> memref<10000x128xf32, #tpu.memory_space<vmem_shared>>
      tpu.enqueue_indirect_dma source(%arg12 : memref<80x128xf32, #tpu.memory_space<vmem>>) target(%dma_start3A_255 : memref<10000x128xf32, #tpu.memory_space<vmem_shared>>) offsets(%arg10 : memref<80xi32, #tpu.memory_space<vmem>>) semaphore(%arg22 : memref<!tpu.dma_semaphore, #tpu.memory_space<semaphore_mem>>) {add = true}
      %add3A_256 = arith.constant 2 : i32
      %add3A_257 = arith.addi %mul3A_182, %add3A_256 : i32
      %mul3A_258 = arith.constant 10000 : i32
      %mul3A_259 = arith.muli %add3A, %mul3A_258 : i32
      %mul3A_260 = arith.constant 80 : i32
      %mul3A_261 = arith.muli %add3A_257, %mul3A_260 : i32
      %add3A_262 = arith.addi %mul3A_259, %mul3A_261 : i32
      %dma_start3A_263 = tpu.memref_slice %arg4[%add3A_262] : memref<640000xi32, #tpu.memory_space<hbm>> -> memref<80xi32, #tpu.memory_space<hbm>>
      %dma_start3A_264 = tpu.memref_slice %arg4[%add3A_262] : memref<640000xi32, #tpu.memory_space<hbm>> -> memref<80xi32, #tpu.memory_space<hbm>>
      tpu.enqueue_dma source(%dma_start3A_264 : memref<80xi32, #tpu.memory_space<hbm>>) target(%arg6 : memref<80xi32, #tpu.memory_space<vmem>>) target_semaphore(%arg24 : memref<!tpu.dma_semaphore, #tpu.memory_space<semaphore_mem>>)
      %add3A_265 = arith.constant 320000 : i32
      %add3A_266 = arith.addi %add3A_265, %add3A_262 : i32
      %dma_start3A_267 = tpu.memref_slice %arg4[%add3A_266] : memref<640000xi32, #tpu.memory_space<hbm>> -> memref<80xi32, #tpu.memory_space<hbm>>
      %dma_start3A_268 = tpu.memref_slice %arg4[%add3A_266] : memref<640000xi32, #tpu.memory_space<hbm>> -> memref<80xi32, #tpu.memory_space<hbm>>
      tpu.enqueue_dma source(%dma_start3A_268 : memref<80xi32, #tpu.memory_space<hbm>>) target(%arg8 : memref<80xi32, #tpu.memory_space<vmem>>) target_semaphore(%arg26 : memref<!tpu.dma_semaphore, #tpu.memory_space<semaphore_mem>>)
      %dma_wait3A_269 = arith.constant 0 : i32
      %dma_wait3A_270 = arith.constant 0 : i32
      %dma_wait3A_271 = tpu.memref_slice %arg2[%dma_wait3A_269, %dma_wait3A_270] : memref<10000x128xf32, #tpu.memory_space<hbm>> -> memref<10000x128xf32, #tpu.memory_space<hbm>>
      tpu.wait_indirect_dma semaphore(%arg19 : memref<!tpu.dma_semaphore, #tpu.memory_space<semaphore_mem>>) src(%dma_wait3A_271 : memref<10000x128xf32, #tpu.memory_space<hbm>>) dst(%arg13 : memref<80x128xf32, #tpu.memory_space<vmem>>)
      %dma_wait3A_272 = arith.constant 0 : i32
      %dma_wait3A_273 = arith.constant 0 : i32
      %dma_wait3A_274 = tpu.memref_slice %arg3[%dma_wait3A_272, %dma_wait3A_273] : memref<10000x128xf32, #tpu.memory_space<hbm>> -> memref<10000x128xf32, #tpu.memory_space<hbm>>
      tpu.wait_indirect_dma semaphore(%arg21 : memref<!tpu.dma_semaphore, #tpu.memory_space<semaphore_mem>>) src(%dma_wait3A_274 : memref<10000x128xf32, #tpu.memory_space<hbm>>) dst(%arg15 : memref<80x128xf32, #tpu.memory_space<vmem>>)
      %dma_wait3A_275 = arith.constant 0 : i32
      %dma_wait3A_276 = arith.constant 0 : i32
      %dma_wait3A_277 = tpu.memref_slice %arg17[%dma_wait3A_275, %dma_wait3A_276] : memref<10000x128xf32, #tpu.memory_space<vmem_shared>> -> memref<10000x128xf32, #tpu.memory_space<vmem_shared>>
      tpu.wait_indirect_dma semaphore(%arg22 : memref<!tpu.dma_semaphore, #tpu.memory_space<semaphore_mem>>) src(%arg12 : memref<80x128xf32, #tpu.memory_space<vmem>>) dst(%dma_wait3A_277 : memref<10000x128xf32, #tpu.memory_space<vmem_shared>>)
      %lt3A = arith.constant 61 : i32
      %lt3A_278 = arith.cmpi slt, %scan3A_180, %lt3A : i32
      %convert_element_type3A_279 = arith.extui %lt3A_278 : i1 to i32
      %cond3A_280 = arith.constant 0 : i32
      %cond3A_281 = arith.cmpi ne, %convert_element_type3A_279, %cond3A_280 : i32
      scf.if %cond3A_281 {
        %add3A_331 = arith.constant 2 : i32
        %add3A_332 = arith.addi %mul3A_182, %add3A_331 : i32
        %mul3A_333 = arith.constant 10000 : i32
        %mul3A_334 = arith.muli %add3A, %mul3A_333 : i32
        %mul3A_335 = arith.constant 80 : i32
        %mul3A_336 = arith.muli %add3A_332, %mul3A_335 : i32
        %add3A_337 = arith.addi %mul3A_334, %mul3A_336 : i32
        %dma_wait3A_338 = tpu.memref_slice %arg4[%add3A_337] : memref<640000xi32, #tpu.memory_space<hbm>> -> memref<80xi32, #tpu.memory_space<hbm>>
        %dma_wait3A_339 = tpu.memref_slice %arg4[%add3A_337] : memref<640000xi32, #tpu.memory_space<hbm>> -> memref<80xi32, #tpu.memory_space<hbm>>
        tpu.wait_dma2 semaphore(%arg24 : memref<!tpu.dma_semaphore, #tpu.memory_space<semaphore_mem>>) src(%dma_wait3A_339 : memref<80xi32, #tpu.memory_space<hbm>>) dst(%arg6 : memref<80xi32, #tpu.memory_space<vmem>>)
        %add3A_340 = arith.constant 320000 : i32
        %add3A_341 = arith.addi %add3A_340, %add3A_337 : i32
        %dma_wait3A_342 = tpu.memref_slice %arg4[%add3A_341] : memref<640000xi32, #tpu.memory_space<hbm>> -> memref<80xi32, #tpu.memory_space<hbm>>
        %dma_wait3A_343 = tpu.memref_slice %arg4[%add3A_341] : memref<640000xi32, #tpu.memory_space<hbm>> -> memref<80xi32, #tpu.memory_space<hbm>>
        tpu.wait_dma2 semaphore(%arg26 : memref<!tpu.dma_semaphore, #tpu.memory_space<semaphore_mem>>) src(%dma_wait3A_343 : memref<80xi32, #tpu.memory_space<hbm>>) dst(%arg8 : memref<80xi32, #tpu.memory_space<vmem>>)
        %dma_start3A_344 = arith.constant 0 : i32
        %dma_start3A_345 = arith.constant 0 : i32
        %dma_start3A_346 = tpu.memref_slice %arg2[%dma_start3A_344, %dma_start3A_345] : memref<10000x128xf32, #tpu.memory_space<hbm>> -> memref<10000x128xf32, #tpu.memory_space<hbm>>
        tpu.enqueue_indirect_dma source(%dma_start3A_346 : memref<10000x128xf32, #tpu.memory_space<hbm>>) target(%arg12 : memref<80x128xf32, #tpu.memory_space<vmem>>) offsets(%arg6 : memref<80xi32, #tpu.memory_space<vmem>>) semaphore(%arg18 : memref<!tpu.dma_semaphore, #tpu.memory_space<semaphore_mem>>)
        %dma_start3A_347 = arith.constant 0 : i32
        %dma_start3A_348 = arith.constant 0 : i32
        %dma_start3A_349 = tpu.memref_slice %arg3[%dma_start3A_347, %dma_start3A_348] : memref<10000x128xf32, #tpu.memory_space<hbm>> -> memref<10000x128xf32, #tpu.memory_space<hbm>>
        tpu.enqueue_indirect_dma source(%dma_start3A_349 : memref<10000x128xf32, #tpu.memory_space<hbm>>) target(%arg14 : memref<80x128xf32, #tpu.memory_space<vmem>>) offsets(%arg8 : memref<80xi32, #tpu.memory_space<vmem>>) semaphore(%arg20 : memref<!tpu.dma_semaphore, #tpu.memory_space<semaphore_mem>>)
      } else {
      }
      %get3A_282 = arith.constant 0 : index
      %get3A_283 = tpu.vector_load %arg9[%get3A_282] {strides = array<i32>} : memref<80xi32, #tpu.memory_space<vmem>>, vector<16xi32>,
      %get3A_284 = vector.shape_cast %get3A_283 : vector<16xi32> to vector<16xi32>
      %swap3A_285 = arith.constant 0 : index
      %swap3A_286 = tpu.vector_load %arg11[%swap3A_285] {strides = array<i32>} : memref<80xi32, #tpu.memory_space<vmem>>, vector<16xi32>,
      %swap3A_287 = vector.shape_cast %swap3A_286 : vector<16xi32> to vector<16xi32>
      %swap3A_288 = vector.shape_cast %get3A_284 : vector<16xi32> to vector<16xi32>
      tpu.vector_store %arg11[%swap3A_285], %swap3A_288 {strides = array<i32>} : memref<80xi32, #tpu.memory_space<vmem>>, vector<16xi32>,
      %get3A_289 = arith.constant 16 : index
      %get3A_290 = tpu.vector_load %arg9[%get3A_289] {strides = array<i32>} : memref<80xi32, #tpu.memory_space<vmem>>, vector<16xi32>,
      %get3A_291 = vector.shape_cast %get3A_290 : vector<16xi32> to vector<16xi32>
      %swap3A_292 = arith.constant 16 : index
      %swap3A_293 = tpu.vector_load %arg11[%swap3A_292] {strides = array<i32>} : memref<80xi32, #tpu.memory_space<vmem>>, vector<16xi32>,
      %swap3A_294 = vector.shape_cast %swap3A_293 : vector<16xi32> to vector<16xi32>
      %swap3A_295 = vector.shape_cast %get3A_291 : vector<16xi32> to vector<16xi32>
      tpu.vector_store %arg11[%swap3A_292], %swap3A_295 {strides = array<i32>} : memref<80xi32, #tpu.memory_space<vmem>>, vector<16xi32>,
      %get3A_296 = arith.constant 32 : index
      %get3A_297 = tpu.vector_load %arg9[%get3A_296] {strides = array<i32>} : memref<80xi32, #tpu.memory_space<vmem>>, vector<16xi32>,
      %get3A_298 = vector.shape_cast %get3A_297 : vector<16xi32> to vector<16xi32>
      %swap3A_299 = arith.constant 32 : index
      %swap3A_300 = tpu.vector_load %arg11[%swap3A_299] {strides = array<i32>} : memref<80xi32, #tpu.memory_space<vmem>>, vector<16xi32>,
      %swap3A_301 = vector.shape_cast %swap3A_300 : vector<16xi32> to vector<16xi32>
      %swap3A_302 = vector.shape_cast %get3A_298 : vector<16xi32> to vector<16xi32>
      tpu.vector_store %arg11[%swap3A_299], %swap3A_302 {strides = array<i32>} : memref<80xi32, #tpu.memory_space<vmem>>, vector<16xi32>,
      %get3A_303 = arith.constant 48 : index
      %get3A_304 = tpu.vector_load %arg9[%get3A_303] {strides = array<i32>} : memref<80xi32, #tpu.memory_space<vmem>>, vector<16xi32>,
      %get3A_305 = vector.shape_cast %get3A_304 : vector<16xi32> to vector<16xi32>
      %swap3A_306 = arith.constant 48 : index
      %swap3A_307 = tpu.vector_load %arg11[%swap3A_306] {strides = array<i32>} : memref<80xi32, #tpu.memory_space<vmem>>, vector<16xi32>,
      %swap3A_308 = vector.shape_cast %swap3A_307 : vector<16xi32> to vector<16xi32>
      %swap3A_309 = vector.shape_cast %get3A_305 : vector<16xi32> to vector<16xi32>
      tpu.vector_store %arg11[%swap3A_306], %swap3A_309 {strides = array<i32>} : memref<80xi32, #tpu.memory_space<vmem>>, vector<16xi32>,
      %get3A_310 = arith.constant 64 : index
      %get3A_311 = tpu.vector_load %arg9[%get3A_310] {strides = array<i32>} : memref<80xi32, #tpu.memory_space<vmem>>, vector<16xi32>,
      %get3A_312 = vector.shape_cast %get3A_311 : vector<16xi32> to vector<16xi32>
      %swap3A_313 = arith.constant 64 : index
      %swap3A_314 = tpu.vector_load %arg11[%swap3A_313] {strides = array<i32>} : memref<80xi32, #tpu.memory_space<vmem>>, vector<16xi32>,
      %swap3A_315 = vector.shape_cast %swap3A_314 : vector<16xi32> to vector<16xi32>
      %swap3A_316 = vector.shape_cast %get3A_312 : vector<16xi32> to vector<16xi32>
      tpu.vector_store %arg11[%swap3A_313], %swap3A_316 {strides = array<i32>} : memref<80xi32, #tpu.memory_space<vmem>>, vector<16xi32>,
      %scan3A_317 = arith.constant 0 : i32
      %scan3A_318 = arith.constant 0 : i32
      %scan3A_319 = arith.constant 80 : i32
      %scan3A_320 = arith.addi %scan3A_318, %scan3A_319 : i32
      %scan3A_321 = arith.constant 1 : i32
      scf.for %scan3A_331 = %scan3A_318 to %scan3A_320 step %scan3A_321  : i32 {
        %get3A_332 = arith.index_cast %scan3A_331 : i32 to index
        %get3A_333 = arith.constant 0 : index
        %get3A_334 = tpu.vector_load %arg13[%get3A_332, %get3A_333] {strides = array<i32>} : memref<80x128xf32, #tpu.memory_space<vmem>>, vector<1x16xf32>,
        %get3A_335 = vector.shape_cast %get3A_334 : vector<1x16xf32> to vector<16xf32>
        %get3A_336 = arith.index_cast %scan3A_331 : i32 to index
        %get3A_337 = arith.constant 0 : index
        %get3A_338 = tpu.vector_load %arg15[%get3A_336, %get3A_337] {strides = array<i32>} : memref<80x128xf32, #tpu.memory_space<vmem>>, vector<1x16xf32>,
        %get3A_339 = vector.shape_cast %get3A_338 : vector<1x16xf32> to vector<16xf32>
        %add3A_340 = arith.addf %get3A_335, %get3A_339 : vector<16xf32>
        %max3A = arith.constant 0.000000e+00 : f32
        %max3A_341 = vector.broadcast %max3A : f32 to vector<16xf32>
        %max3A_342 = arith.maximumf %add3A_340, %max3A_341 : vector<16xf32>
        %swap3A_343 = arith.index_cast %scan3A_331 : i32 to index
        %swap3A_344 = arith.constant 0 : index
        %swap3A_345 = tpu.vector_load %arg13[%swap3A_343, %swap3A_344] {strides = array<i32>} : memref<80x128xf32, #tpu.memory_space<vmem>>, vector<1x16xf32>,
        %swap3A_346 = vector.shape_cast %swap3A_345 : vector<1x16xf32> to vector<16xf32>
        %swap3A_347 = vector.shape_cast %max3A_342 : vector<16xf32> to vector<1x16xf32>
        tpu.vector_store %arg13[%swap3A_343, %swap3A_344], %swap3A_347 {strides = array<i32>} : memref<80x128xf32, #tpu.memory_space<vmem>>, vector<1x16xf32>,
        %get3A_348 = arith.index_cast %scan3A_331 : i32 to index
        %get3A_349 = arith.constant 16 : index
        %get3A_350 = tpu.vector_load %arg13[%get3A_348, %get3A_349] {strides = array<i32>} : memref<80x128xf32, #tpu.memory_space<vmem>>, vector<1x16xf32>,
        %get3A_351 = vector.shape_cast %get3A_350 : vector<1x16xf32> to vector<16xf32>
        %get3A_352 = arith.index_cast %scan3A_331 : i32 to index
        %get3A_353 = arith.constant 16 : index
        %get3A_354 = tpu.vector_load %arg15[%get3A_352, %get3A_353] {strides = array<i32>} : memref<80x128xf32, #tpu.memory_space<vmem>>, vector<1x16xf32>,
        %get3A_355 = vector.shape_cast %get3A_354 : vector<1x16xf32> to vector<16xf32>
        %add3A_356 = arith.addf %get3A_351, %get3A_355 : vector<16xf32>
        %max3A_357 = arith.constant 0.000000e+00 : f32
        %max3A_358 = vector.broadcast %max3A_357 : f32 to vector<16xf32>
        %max3A_359 = arith.maximumf %add3A_356, %max3A_358 : vector<16xf32>
        %swap3A_360 = arith.index_cast %scan3A_331 : i32 to index
        %swap3A_361 = arith.constant 16 : index
        %swap3A_362 = tpu.vector_load %arg13[%swap3A_360, %swap3A_361] {strides = array<i32>} : memref<80x128xf32, #tpu.memory_space<vmem>>, vector<1x16xf32>,
        %swap3A_363 = vector.shape_cast %swap3A_362 : vector<1x16xf32> to vector<16xf32>
        %swap3A_364 = vector.shape_cast %max3A_359 : vector<16xf32> to vector<1x16xf32>
        tpu.vector_store %arg13[%swap3A_360, %swap3A_361], %swap3A_364 {strides = array<i32>} : memref<80x128xf32, #tpu.memory_space<vmem>>, vector<1x16xf32>,
        %get3A_365 = arith.index_cast %scan3A_331 : i32 to index
        %get3A_366 = arith.constant 32 : index
        %get3A_367 = tpu.vector_load %arg13[%get3A_365, %get3A_366] {strides = array<i32>} : memref<80x128xf32, #tpu.memory_space<vmem>>, vector<1x16xf32>,
        %get3A_368 = vector.shape_cast %get3A_367 : vector<1x16xf32> to vector<16xf32>
        %get3A_369 = arith.index_cast %scan3A_331 : i32 to index
        %get3A_370 = arith.constant 32 : index
        %get3A_371 = tpu.vector_load %arg15[%get3A_369, %get3A_370] {strides = array<i32>} : memref<80x128xf32, #tpu.memory_space<vmem>>, vector<1x16xf32>,
        %get3A_372 = vector.shape_cast %get3A_371 : vector<1x16xf32> to vector<16xf32>
        %add3A_373 = arith.addf %get3A_368, %get3A_372 : vector<16xf32>
        %max3A_374 = arith.constant 0.000000e+00 : f32
        %max3A_375 = vector.broadcast %max3A_374 : f32 to vector<16xf32>
        %max3A_376 = arith.maximumf %add3A_373, %max3A_375 : vector<16xf32>
        %swap3A_377 = arith.index_cast %scan3A_331 : i32 to index
        %swap3A_378 = arith.constant 32 : index
        %swap3A_379 = tpu.vector_load %arg13[%swap3A_377, %swap3A_378] {strides = array<i32>} : memref<80x128xf32, #tpu.memory_space<vmem>>, vector<1x16xf32>,
        %swap3A_380 = vector.shape_cast %swap3A_379 : vector<1x16xf32> to vector<16xf32>
        %swap3A_381 = vector.shape_cast %max3A_376 : vector<16xf32> to vector<1x16xf32>
        tpu.vector_store %arg13[%swap3A_377, %swap3A_378], %swap3A_381 {strides = array<i32>} : memref<80x128xf32, #tpu.memory_space<vmem>>, vector<1x16xf32>,
        %get3A_382 = arith.index_cast %scan3A_331 : i32 to index
        %get3A_383 = arith.constant 48 : index
        %get3A_384 = tpu.vector_load %arg13[%get3A_382, %get3A_383] {strides = array<i32>} : memref<80x128xf32, #tpu.memory_space<vmem>>, vector<1x16xf32>,
        %get3A_385 = vector.shape_cast %get3A_384 : vector<1x16xf32> to vector<16xf32>
        %get3A_386 = arith.index_cast %scan3A_331 : i32 to index
        %get3A_387 = arith.constant 48 : index
        %get3A_388 = tpu.vector_load %arg15[%get3A_386, %get3A_387] {strides = array<i32>} : memref<80x128xf32, #tpu.memory_space<vmem>>, vector<1x16xf32>,
        %get3A_389 = vector.shape_cast %get3A_388 : vector<1x16xf32> to vector<16xf32>
        %add3A_390 = arith.addf %get3A_385, %get3A_389 : vector<16xf32>
        %max3A_391 = arith.constant 0.000000e+00 : f32
        %max3A_392 = vector.broadcast %max3A_391 : f32 to vector<16xf32>
        %max3A_393 = arith.maximumf %add3A_390, %max3A_392 : vector<16xf32>
        %swap3A_394 = arith.index_cast %scan3A_331 : i32 to index
        %swap3A_395 = arith.constant 48 : index
        %swap3A_396 = tpu.vector_load %arg13[%swap3A_394, %swap3A_395] {strides = array<i32>} : memref<80x128xf32, #tpu.memory_space<vmem>>, vector<1x16xf32>,
        %swap3A_397 = vector.shape_cast %swap3A_396 : vector<1x16xf32> to vector<16xf32>
        %swap3A_398 = vector.shape_cast %max3A_393 : vector<16xf32> to vector<1x16xf32>
        tpu.vector_store %arg13[%swap3A_394, %swap3A_395], %swap3A_398 {strides = array<i32>} : memref<80x128xf32, #tpu.memory_space<vmem>>, vector<1x16xf32>,
        %get3A_399 = arith.index_cast %scan3A_331 : i32 to index
        %get3A_400 = arith.constant 64 : index
        %get3A_401 = tpu.vector_load %arg13[%get3A_399, %get3A_400] {strides = array<i32>} : memref<80x128xf32, #tpu.memory_space<vmem>>, vector<1x16xf32>,
        %get3A_402 = vector.shape_cast %get3A_401 : vector<1x16xf32> to vector<16xf32>
        %get3A_403 = arith.index_cast %scan3A_331 : i32 to index
        %get3A_404 = arith.constant 64 : index
        %get3A_405 = tpu.vector_load %arg15[%get3A_403, %get3A_404] {strides = array<i32>} : memref<80x128xf32, #tpu.memory_space<vmem>>, vector<1x16xf32>,
        %get3A_406 = vector.shape_cast %get3A_405 : vector<1x16xf32> to vector<16xf32>
        %add3A_407 = arith.addf %get3A_402, %get3A_406 : vector<16xf32>
        %max3A_408 = arith.constant 0.000000e+00 : f32
        %max3A_409 = vector.broadcast %max3A_408 : f32 to vector<16xf32>
        %max3A_410 = arith.maximumf %add3A_407, %max3A_409 : vector<16xf32>
        %swap3A_411 = arith.index_cast %scan3A_331 : i32 to index
        %swap3A_412 = arith.constant 64 : index
        %swap3A_413 = tpu.vector_load %arg13[%swap3A_411, %swap3A_412] {strides = array<i32>} : memref<80x128xf32, #tpu.memory_space<vmem>>, vector<1x16xf32>,
        %swap3A_414 = vector.shape_cast %swap3A_413 : vector<1x16xf32> to vector<16xf32>
        %swap3A_415 = vector.shape_cast %max3A_410 : vector<16xf32> to vector<1x16xf32>
        tpu.vector_store %arg13[%swap3A_411, %swap3A_412], %swap3A_415 {strides = array<i32>} : memref<80x128xf32, #tpu.memory_space<vmem>>, vector<1x16xf32>,
        %get3A_416 = arith.index_cast %scan3A_331 : i32 to index
        %get3A_417 = arith.constant 80 : index
        %get3A_418 = tpu.vector_load %arg13[%get3A_416, %get3A_417] {strides = array<i32>} : memref<80x128xf32, #tpu.memory_space<vmem>>, vector<1x16xf32>,
        %get3A_419 = vector.shape_cast %get3A_418 : vector<1x16xf32> to vector<16xf32>
        %get3A_420 = arith.index_cast %scan3A_331 : i32 to index
        %get3A_421 = arith.constant 80 : index
        %get3A_422 = tpu.vector_load %arg15[%get3A_420, %get3A_421] {strides = array<i32>} : memref<80x128xf32, #tpu.memory_space<vmem>>, vector<1x16xf32>,
        %get3A_423 = vector.shape_cast %get3A_422 : vector<1x16xf32> to vector<16xf32>
        %add3A_424 = arith.addf %get3A_419, %get3A_423 : vector<16xf32>
        %max3A_425 = arith.constant 0.000000e+00 : f32
        %max3A_426 = vector.broadcast %max3A_425 : f32 to vector<16xf32>
        %max3A_427 = arith.maximumf %add3A_424, %max3A_426 : vector<16xf32>
        %swap3A_428 = arith.index_cast %scan3A_331 : i32 to index
        %swap3A_429 = arith.constant 80 : index
        %swap3A_430 = tpu.vector_load %arg13[%swap3A_428, %swap3A_429] {strides = array<i32>} : memref<80x128xf32, #tpu.memory_space<vmem>>, vector<1x16xf32>,
        %swap3A_431 = vector.shape_cast %swap3A_430 : vector<1x16xf32> to vector<16xf32>
        %swap3A_432 = vector.shape_cast %max3A_427 : vector<16xf32> to vector<1x16xf32>
        tpu.vector_store %arg13[%swap3A_428, %swap3A_429], %swap3A_432 {strides = array<i32>} : memref<80x128xf32, #tpu.memory_space<vmem>>, vector<1x16xf32>,
        %get3A_433 = arith.index_cast %scan3A_331 : i32 to index
        %get3A_434 = arith.constant 96 : index
        %get3A_435 = tpu.vector_load %arg13[%get3A_433, %get3A_434] {strides = array<i32>} : memref<80x128xf32, #tpu.memory_space<vmem>>, vector<1x16xf32>,
        %get3A_436 = vector.shape_cast %get3A_435 : vector<1x16xf32> to vector<16xf32>
        %get3A_437 = arith.index_cast %scan3A_331 : i32 to index
        %get3A_438 = arith.constant 96 : index
        %get3A_439 = tpu.vector_load %arg15[%get3A_437, %get3A_438] {strides = array<i32>} : memref<80x128xf32, #tpu.memory_space<vmem>>, vector<1x16xf32>,
        %get3A_440 = vector.shape_cast %get3A_439 : vector<1x16xf32> to vector<16xf32>
        %add3A_441 = arith.addf %get3A_436, %get3A_440 : vector<16xf32>
        %max3A_442 = arith.constant 0.000000e+00 : f32
        %max3A_443 = vector.broadcast %max3A_442 : f32 to vector<16xf32>
        %max3A_444 = arith.maximumf %add3A_441, %max3A_443 : vector<16xf32>
        %swap3A_445 = arith.index_cast %scan3A_331 : i32 to index
        %swap3A_446 = arith.constant 96 : index
        %swap3A_447 = tpu.vector_load %arg13[%swap3A_445, %swap3A_446] {strides = array<i32>} : memref<80x128xf32, #tpu.memory_space<vmem>>, vector<1x16xf32>,
        %swap3A_448 = vector.shape_cast %swap3A_447 : vector<1x16xf32> to vector<16xf32>
        %swap3A_449 = vector.shape_cast %max3A_444 : vector<16xf32> to vector<1x16xf32>
        tpu.vector_store %arg13[%swap3A_445, %swap3A_446], %swap3A_449 {strides = array<i32>} : memref<80x128xf32, #tpu.memory_space<vmem>>, vector<1x16xf32>,
        %get3A_450 = arith.index_cast %scan3A_331 : i32 to index
        %get3A_451 = arith.constant 112 : index
        %get3A_452 = tpu.vector_load %arg13[%get3A_450, %get3A_451] {strides = array<i32>} : memref<80x128xf32, #tpu.memory_space<vmem>>, vector<1x16xf32>,
        %get3A_453 = vector.shape_cast %get3A_452 : vector<1x16xf32> to vector<16xf32>
        %get3A_454 = arith.index_cast %scan3A_331 : i32 to index
        %get3A_455 = arith.constant 112 : index
        %get3A_456 = tpu.vector_load %arg15[%get3A_454, %get3A_455] {strides = array<i32>} : memref<80x128xf32, #tpu.memory_space<vmem>>, vector<1x16xf32>,
        %get3A_457 = vector.shape_cast %get3A_456 : vector<1x16xf32> to vector<16xf32>
        %add3A_458 = arith.addf %get3A_453, %get3A_457 : vector<16xf32>
        %max3A_459 = arith.constant 0.000000e+00 : f32
        %max3A_460 = vector.broadcast %max3A_459 : f32 to vector<16xf32>
        %max3A_461 = arith.maximumf %add3A_458, %max3A_460 : vector<16xf32>
        %swap3A_462 = arith.index_cast %scan3A_331 : i32 to index
        %swap3A_463 = arith.constant 112 : index
        %swap3A_464 = tpu.vector_load %arg13[%swap3A_462, %swap3A_463] {strides = array<i32>} : memref<80x128xf32, #tpu.memory_space<vmem>>, vector<1x16xf32>,
        %swap3A_465 = vector.shape_cast %swap3A_464 : vector<1x16xf32> to vector<16xf32>
        %swap3A_466 = vector.shape_cast %max3A_461 : vector<16xf32> to vector<1x16xf32>
        tpu.vector_store %arg13[%swap3A_462, %swap3A_463], %swap3A_466 {strides = array<i32>} : memref<80x128xf32, #tpu.memory_space<vmem>>, vector<1x16xf32>,
      }
      %scan3A_322 = arith.constant 80 : i32
      %dma_start3A_323 = arith.constant 0 : i32
      %dma_start3A_324 = arith.constant 0 : i32
      %dma_start3A_325 = tpu.memref_slice %arg17[%dma_start3A_323, %dma_start3A_324] : memref<10000x128xf32, #tpu.memory_space<vmem_shared>> -> memref<10000x128xf32, #tpu.memory_space<vmem_shared>>
      tpu.enqueue_indirect_dma source(%arg13 : memref<80x128xf32, #tpu.memory_space<vmem>>) target(%dma_start3A_325 : memref<10000x128xf32, #tpu.memory_space<vmem_shared>>) offsets(%arg11 : memref<80xi32, #tpu.memory_space<vmem>>) semaphore(%arg23 : memref<!tpu.dma_semaphore, #tpu.memory_space<semaphore_mem>>) {add = true}
      %lt3A_326 = arith.constant 61 : i32
      %lt3A_327 = arith.cmpi slt, %scan3A_180, %lt3A_326 : i32
      %convert_element_type3A_328 = arith.extui %lt3A_327 : i1 to i32
      %cond3A_329 = arith.constant 0 : i32
      %cond3A_330 = arith.cmpi ne, %convert_element_type3A_328, %cond3A_329 : i32
      scf.if %cond3A_330 {
        %add3A_331 = arith.constant 3 : i32
        %add3A_332 = arith.addi %mul3A_182, %add3A_331 : i32
        %mul3A_333 = arith.constant 10000 : i32
        %mul3A_334 = arith.muli %add3A, %mul3A_333 : i32
        %mul3A_335 = arith.constant 80 : i32
        %mul3A_336 = arith.muli %add3A_332, %mul3A_335 : i32
        %add3A_337 = arith.addi %mul3A_334, %mul3A_336 : i32
        %dma_start3A_338 = tpu.memref_slice %arg4[%add3A_337] : memref<640000xi32, #tpu.memory_space<hbm>> -> memref<80xi32, #tpu.memory_space<hbm>>
        %dma_start3A_339 = tpu.memref_slice %arg4[%add3A_337] : memref<640000xi32, #tpu.memory_space<hbm>> -> memref<80xi32, #tpu.memory_space<hbm>>
        tpu.enqueue_dma source(%dma_start3A_339 : memref<80xi32, #tpu.memory_space<hbm>>) target(%arg7 : memref<80xi32, #tpu.memory_space<vmem>>) target_semaphore(%arg25 : memref<!tpu.dma_semaphore, #tpu.memory_space<semaphore_mem>>)
        %add3A_340 = arith.constant 320000 : i32
        %add3A_341 = arith.addi %add3A_340, %add3A_337 : i32
        %dma_start3A_342 = tpu.memref_slice %arg4[%add3A_341] : memref<640000xi32, #tpu.memory_space<hbm>> -> memref<80xi32, #tpu.memory_space<hbm>>
        %dma_start3A_343 = tpu.memref_slice %arg4[%add3A_341] : memref<640000xi32, #tpu.memory_space<hbm>> -> memref<80xi32, #tpu.memory_space<hbm>>
        tpu.enqueue_dma source(%dma_start3A_343 : memref<80xi32, #tpu.memory_space<hbm>>) target(%arg9 : memref<80xi32, #tpu.memory_space<vmem>>) target_semaphore(%arg27 : memref<!tpu.dma_semaphore, #tpu.memory_space<semaphore_mem>>)
      } else {
      }
    }
    %scan3A_99 = arith.constant 62 : i32
    %mul3A_100 = arith.constant 10000 : i32
    %mul3A_101 = arith.muli %add3A, %mul3A_100 : i32
    %add3A_102 = arith.constant 9920 : i32
    %add3A_103 = arith.addi %mul3A_101, %add3A_102 : i32
    %dma_wait3A_104 = tpu.memref_slice %arg4[%add3A_103] : memref<640000xi32, #tpu.memory_space<hbm>> -> memref<80xi32, #tpu.memory_space<hbm>>
    %dma_wait3A_105 = tpu.memref_slice %arg4[%add3A_103] : memref<640000xi32, #tpu.memory_space<hbm>> -> memref<80xi32, #tpu.memory_space<hbm>>
    tpu.wait_dma2 semaphore(%arg24 : memref<!tpu.dma_semaphore, #tpu.memory_space<semaphore_mem>>) src(%dma_wait3A_105 : memref<80xi32, #tpu.memory_space<hbm>>) dst(%arg6 : memref<80xi32, #tpu.memory_space<vmem>>)
    %add3A_106 = arith.constant 320000 : i32
    %add3A_107 = arith.addi %add3A_106, %add3A_103 : i32
    %dma_wait3A_108 = tpu.memref_slice %arg4[%add3A_107] : memref<640000xi32, #tpu.memory_space<hbm>> -> memref<80xi32, #tpu.memory_space<hbm>>
    %dma_wait3A_109 = tpu.memref_slice %arg4[%add3A_107] : memref<640000xi32, #tpu.memory_space<hbm>> -> memref<80xi32, #tpu.memory_space<hbm>>
    tpu.wait_dma2 semaphore(%arg26 : memref<!tpu.dma_semaphore, #tpu.memory_space<semaphore_mem>>) src(%dma_wait3A_109 : memref<80xi32, #tpu.memory_space<hbm>>) dst(%arg8 : memref<80xi32, #tpu.memory_space<vmem>>)
    %dma_start3A_110 = arith.constant 0 : i32
    %dma_start3A_111 = arith.constant 0 : i32
    %dma_start3A_112 = tpu.memref_slice %arg2[%dma_start3A_110, %dma_start3A_111] : memref<10000x128xf32, #tpu.memory_space<hbm>> -> memref<10000x128xf32, #tpu.memory_space<hbm>>
    tpu.enqueue_indirect_dma source(%dma_start3A_112 : memref<10000x128xf32, #tpu.memory_space<hbm>>) target(%arg12 : memref<80x128xf32, #tpu.memory_space<vmem>>) offsets(%arg6 : memref<80xi32, #tpu.memory_space<vmem>>) semaphore(%arg18 : memref<!tpu.dma_semaphore, #tpu.memory_space<semaphore_mem>>)
    %dma_start3A_113 = arith.constant 0 : i32
    %dma_start3A_114 = arith.constant 0 : i32
    %dma_start3A_115 = tpu.memref_slice %arg3[%dma_start3A_113, %dma_start3A_114] : memref<10000x128xf32, #tpu.memory_space<hbm>> -> memref<10000x128xf32, #tpu.memory_space<hbm>>
    tpu.enqueue_indirect_dma source(%dma_start3A_115 : memref<10000x128xf32, #tpu.memory_space<hbm>>) target(%arg14 : memref<80x128xf32, #tpu.memory_space<vmem>>) offsets(%arg8 : memref<80xi32, #tpu.memory_space<vmem>>) semaphore(%arg20 : memref<!tpu.dma_semaphore, #tpu.memory_space<semaphore_mem>>)
    %dma_wait3A_116 = arith.constant 0 : i32
    %dma_wait3A_117 = arith.constant 0 : i32
    %dma_wait3A_118 = tpu.memref_slice %arg2[%dma_wait3A_116, %dma_wait3A_117] : memref<10000x128xf32, #tpu.memory_space<hbm>> -> memref<10000x128xf32, #tpu.memory_space<hbm>>
    tpu.wait_indirect_dma semaphore(%arg18 : memref<!tpu.dma_semaphore, #tpu.memory_space<semaphore_mem>>) src(%dma_wait3A_118 : memref<10000x128xf32, #tpu.memory_space<hbm>>) dst(%arg12 : memref<80x128xf32, #tpu.memory_space<vmem>>)
    %dma_wait3A_119 = arith.constant 0 : i32
    %dma_wait3A_120 = arith.constant 0 : i32
    %dma_wait3A_121 = tpu.memref_slice %arg3[%dma_wait3A_119, %dma_wait3A_120] : memref<10000x128xf32, #tpu.memory_space<hbm>> -> memref<10000x128xf32, #tpu.memory_space<hbm>>
    tpu.wait_indirect_dma semaphore(%arg20 : memref<!tpu.dma_semaphore, #tpu.memory_space<semaphore_mem>>) src(%dma_wait3A_121 : memref<10000x128xf32, #tpu.memory_space<hbm>>) dst(%arg14 : memref<80x128xf32, #tpu.memory_space<vmem>>)
    %dma_wait3A_122 = arith.constant 0 : i32
    %dma_wait3A_123 = arith.constant 0 : i32
    %dma_wait3A_124 = tpu.memref_slice %arg17[%dma_wait3A_122, %dma_wait3A_123] : memref<10000x128xf32, #tpu.memory_space<vmem_shared>> -> memref<10000x128xf32, #tpu.memory_space<vmem_shared>>
    tpu.wait_indirect_dma semaphore(%arg23 : memref<!tpu.dma_semaphore, #tpu.memory_space<semaphore_mem>>) src(%arg13 : memref<80x128xf32, #tpu.memory_space<vmem>>) dst(%dma_wait3A_124 : memref<10000x128xf32, #tpu.memory_space<vmem_shared>>)
    %get3A = arith.constant 0 : index
    %get3A_125 = tpu.vector_load %arg8[%get3A] {strides = array<i32>} : memref<80xi32, #tpu.memory_space<vmem>>, vector<16xi32>,
    %get3A_126 = vector.shape_cast %get3A_125 : vector<16xi32> to vector<16xi32>
    %swap3A = arith.constant 0 : index
    %swap3A_127 = tpu.vector_load %arg10[%swap3A] {strides = array<i32>} : memref<80xi32, #tpu.memory_space<vmem>>, vector<16xi32>,
    %swap3A_128 = vector.shape_cast %swap3A_127 : vector<16xi32> to vector<16xi32>
    %swap3A_129 = vector.shape_cast %get3A_126 : vector<16xi32> to vector<16xi32>
    tpu.vector_store %arg10[%swap3A], %swap3A_129 {strides = array<i32>} : memref<80xi32, #tpu.memory_space<vmem>>, vector<16xi32>,
    %get3A_130 = arith.constant 16 : index
    %get3A_131 = tpu.vector_load %arg8[%get3A_130] {strides = array<i32>} : memref<80xi32, #tpu.memory_space<vmem>>, vector<16xi32>,
    %get3A_132 = vector.shape_cast %get3A_131 : vector<16xi32> to vector<16xi32>
    %swap3A_133 = arith.constant 16 : index
    %swap3A_134 = tpu.vector_load %arg10[%swap3A_133] {strides = array<i32>} : memref<80xi32, #tpu.memory_space<vmem>>, vector<16xi32>,
    %swap3A_135 = vector.shape_cast %swap3A_134 : vector<16xi32> to vector<16xi32>
    %swap3A_136 = vector.shape_cast %get3A_132 : vector<16xi32> to vector<16xi32>
    tpu.vector_store %arg10[%swap3A_133], %swap3A_136 {strides = array<i32>} : memref<80xi32, #tpu.memory_space<vmem>>, vector<16xi32>,
    %get3A_137 = arith.constant 32 : index
    %get3A_138 = tpu.vector_load %arg8[%get3A_137] {strides = array<i32>} : memref<80xi32, #tpu.memory_space<vmem>>, vector<16xi32>,
    %get3A_139 = vector.shape_cast %get3A_138 : vector<16xi32> to vector<16xi32>
    %swap3A_140 = arith.constant 32 : index
    %swap3A_141 = tpu.vector_load %arg10[%swap3A_140] {strides = array<i32>} : memref<80xi32, #tpu.memory_space<vmem>>, vector<16xi32>,
    %swap3A_142 = vector.shape_cast %swap3A_141 : vector<16xi32> to vector<16xi32>
    %swap3A_143 = vector.shape_cast %get3A_139 : vector<16xi32> to vector<16xi32>
    tpu.vector_store %arg10[%swap3A_140], %swap3A_143 {strides = array<i32>} : memref<80xi32, #tpu.memory_space<vmem>>, vector<16xi32>,
    %get3A_144 = arith.constant 48 : index
    %get3A_145 = tpu.vector_load %arg8[%get3A_144] {strides = array<i32>} : memref<80xi32, #tpu.memory_space<vmem>>, vector<16xi32>,
    %get3A_146 = vector.shape_cast %get3A_145 : vector<16xi32> to vector<16xi32>
    %swap3A_147 = arith.constant 48 : index
    %swap3A_148 = tpu.vector_load %arg10[%swap3A_147] {strides = array<i32>} : memref<80xi32, #tpu.memory_space<vmem>>, vector<16xi32>,
    %swap3A_149 = vector.shape_cast %swap3A_148 : vector<16xi32> to vector<16xi32>
    %swap3A_150 = vector.shape_cast %get3A_146 : vector<16xi32> to vector<16xi32>
    tpu.vector_store %arg10[%swap3A_147], %swap3A_150 {strides = array<i32>} : memref<80xi32, #tpu.memory_space<vmem>>, vector<16xi32>,
    %get3A_151 = arith.constant 64 : index
    %get3A_152 = tpu.vector_load %arg8[%get3A_151] {strides = array<i32>} : memref<80xi32, #tpu.memory_space<vmem>>, vector<16xi32>,
    %get3A_153 = vector.shape_cast %get3A_152 : vector<16xi32> to vector<16xi32>
    %swap3A_154 = arith.constant 64 : index
    %swap3A_155 = tpu.vector_load %arg10[%swap3A_154] {strides = array<i32>} : memref<80xi32, #tpu.memory_space<vmem>>, vector<16xi32>,
    %swap3A_156 = vector.shape_cast %swap3A_155 : vector<16xi32> to vector<16xi32>
    %swap3A_157 = vector.shape_cast %get3A_153 : vector<16xi32> to vector<16xi32>
    tpu.vector_store %arg10[%swap3A_154], %swap3A_157 {strides = array<i32>} : memref<80xi32, #tpu.memory_space<vmem>>, vector<16xi32>,
    %scan3A_158 = arith.constant 0 : i32
    %scan3A_159 = arith.constant 0 : i32
    %scan3A_160 = arith.constant 80 : i32
    %scan3A_161 = arith.addi %scan3A_159, %scan3A_160 : i32
    %scan3A_162 = arith.constant 1 : i32
    scf.for %scan3A_180 = %scan3A_159 to %scan3A_161 step %scan3A_162  : i32 {
      %get3A_181 = arith.index_cast %scan3A_180 : i32 to index
      %get3A_182 = arith.constant 0 : index
      %get3A_183 = tpu.vector_load %arg12[%get3A_181, %get3A_182] {strides = array<i32>} : memref<80x128xf32, #tpu.memory_space<vmem>>, vector<1x16xf32>,
      %get3A_184 = vector.shape_cast %get3A_183 : vector<1x16xf32> to vector<16xf32>
      %get3A_185 = arith.index_cast %scan3A_180 : i32 to index
      %get3A_186 = arith.constant 0 : index
      %get3A_187 = tpu.vector_load %arg14[%get3A_185, %get3A_186] {strides = array<i32>} : memref<80x128xf32, #tpu.memory_space<vmem>>, vector<1x16xf32>,
      %get3A_188 = vector.shape_cast %get3A_187 : vector<1x16xf32> to vector<16xf32>
      %add3A_189 = arith.addf %get3A_184, %get3A_188 : vector<16xf32>
      %max3A = arith.constant 0.000000e+00 : f32
      %max3A_190 = vector.broadcast %max3A : f32 to vector<16xf32>
      %max3A_191 = arith.maximumf %add3A_189, %max3A_190 : vector<16xf32>
      %swap3A_192 = arith.index_cast %scan3A_180 : i32 to index
      %swap3A_193 = arith.constant 0 : index
      %swap3A_194 = tpu.vector_load %arg12[%swap3A_192, %swap3A_193] {strides = array<i32>} : memref<80x128xf32, #tpu.memory_space<vmem>>, vector<1x16xf32>,
      %swap3A_195 = vector.shape_cast %swap3A_194 : vector<1x16xf32> to vector<16xf32>
      %swap3A_196 = vector.shape_cast %max3A_191 : vector<16xf32> to vector<1x16xf32>
      tpu.vector_store %arg12[%swap3A_192, %swap3A_193], %swap3A_196 {strides = array<i32>} : memref<80x128xf32, #tpu.memory_space<vmem>>, vector<1x16xf32>,
      %get3A_197 = arith.index_cast %scan3A_180 : i32 to index
      %get3A_198 = arith.constant 16 : index
      %get3A_199 = tpu.vector_load %arg12[%get3A_197, %get3A_198] {strides = array<i32>} : memref<80x128xf32, #tpu.memory_space<vmem>>, vector<1x16xf32>,
      %get3A_200 = vector.shape_cast %get3A_199 : vector<1x16xf32> to vector<16xf32>
      %get3A_201 = arith.index_cast %scan3A_180 : i32 to index
      %get3A_202 = arith.constant 16 : index
      %get3A_203 = tpu.vector_load %arg14[%get3A_201, %get3A_202] {strides = array<i32>} : memref<80x128xf32, #tpu.memory_space<vmem>>, vector<1x16xf32>,
      %get3A_204 = vector.shape_cast %get3A_203 : vector<1x16xf32> to vector<16xf32>
      %add3A_205 = arith.addf %get3A_200, %get3A_204 : vector<16xf32>
      %max3A_206 = arith.constant 0.000000e+00 : f32
      %max3A_207 = vector.broadcast %max3A_206 : f32 to vector<16xf32>
      %max3A_208 = arith.maximumf %add3A_205, %max3A_207 : vector<16xf32>
      %swap3A_209 = arith.index_cast %scan3A_180 : i32 to index
      %swap3A_210 = arith.constant 16 : index
      %swap3A_211 = tpu.vector_load %arg12[%swap3A_209, %swap3A_210] {strides = array<i32>} : memref<80x128xf32, #tpu.memory_space<vmem>>, vector<1x16xf32>,
      %swap3A_212 = vector.shape_cast %swap3A_211 : vector<1x16xf32> to vector<16xf32>
      %swap3A_213 = vector.shape_cast %max3A_208 : vector<16xf32> to vector<1x16xf32>
      tpu.vector_store %arg12[%swap3A_209, %swap3A_210], %swap3A_213 {strides = array<i32>} : memref<80x128xf32, #tpu.memory_space<vmem>>, vector<1x16xf32>,
      %get3A_214 = arith.index_cast %scan3A_180 : i32 to index
      %get3A_215 = arith.constant 32 : index
      %get3A_216 = tpu.vector_load %arg12[%get3A_214, %get3A_215] {strides = array<i32>} : memref<80x128xf32, #tpu.memory_space<vmem>>, vector<1x16xf32>,
      %get3A_217 = vector.shape_cast %get3A_216 : vector<1x16xf32> to vector<16xf32>
      %get3A_218 = arith.index_cast %scan3A_180 : i32 to index
      %get3A_219 = arith.constant 32 : index
      %get3A_220 = tpu.vector_load %arg14[%get3A_218, %get3A_219] {strides = array<i32>} : memref<80x128xf32, #tpu.memory_space<vmem>>, vector<1x16xf32>,
      %get3A_221 = vector.shape_cast %get3A_220 : vector<1x16xf32> to vector<16xf32>
      %add3A_222 = arith.addf %get3A_217, %get3A_221 : vector<16xf32>
      %max3A_223 = arith.constant 0.000000e+00 : f32
      %max3A_224 = vector.broadcast %max3A_223 : f32 to vector<16xf32>
      %max3A_225 = arith.maximumf %add3A_222, %max3A_224 : vector<16xf32>
      %swap3A_226 = arith.index_cast %scan3A_180 : i32 to index
      %swap3A_227 = arith.constant 32 : index
      %swap3A_228 = tpu.vector_load %arg12[%swap3A_226, %swap3A_227] {strides = array<i32>} : memref<80x128xf32, #tpu.memory_space<vmem>>, vector<1x16xf32>,
      %swap3A_229 = vector.shape_cast %swap3A_228 : vector<1x16xf32> to vector<16xf32>
      %swap3A_230 = vector.shape_cast %max3A_225 : vector<16xf32> to vector<1x16xf32>
      tpu.vector_store %arg12[%swap3A_226, %swap3A_227], %swap3A_230 {strides = array<i32>} : memref<80x128xf32, #tpu.memory_space<vmem>>, vector<1x16xf32>,
      %get3A_231 = arith.index_cast %scan3A_180 : i32 to index
      %get3A_232 = arith.constant 48 : index
      %get3A_233 = tpu.vector_load %arg12[%get3A_231, %get3A_232] {strides = array<i32>} : memref<80x128xf32, #tpu.memory_space<vmem>>, vector<1x16xf32>,
      %get3A_234 = vector.shape_cast %get3A_233 : vector<1x16xf32> to vector<16xf32>
      %get3A_235 = arith.index_cast %scan3A_180 : i32 to index
      %get3A_236 = arith.constant 48 : index
      %get3A_237 = tpu.vector_load %arg14[%get3A_235, %get3A_236] {strides = array<i32>} : memref<80x128xf32, #tpu.memory_space<vmem>>, vector<1x16xf32>,
      %get3A_238 = vector.shape_cast %get3A_237 : vector<1x16xf32> to vector<16xf32>
      %add3A_239 = arith.addf %get3A_234, %get3A_238 : vector<16xf32>
      %max3A_240 = arith.constant 0.000000e+00 : f32
      %max3A_241 = vector.broadcast %max3A_240 : f32 to vector<16xf32>
      %max3A_242 = arith.maximumf %add3A_239, %max3A_241 : vector<16xf32>
      %swap3A_243 = arith.index_cast %scan3A_180 : i32 to index
      %swap3A_244 = arith.constant 48 : index
      %swap3A_245 = tpu.vector_load %arg12[%swap3A_243, %swap3A_244] {strides = array<i32>} : memref<80x128xf32, #tpu.memory_space<vmem>>, vector<1x16xf32>,
      %swap3A_246 = vector.shape_cast %swap3A_245 : vector<1x16xf32> to vector<16xf32>
      %swap3A_247 = vector.shape_cast %max3A_242 : vector<16xf32> to vector<1x16xf32>
      tpu.vector_store %arg12[%swap3A_243, %swap3A_244], %swap3A_247 {strides = array<i32>} : memref<80x128xf32, #tpu.memory_space<vmem>>, vector<1x16xf32>,
      %get3A_248 = arith.index_cast %scan3A_180 : i32 to index
      %get3A_249 = arith.constant 64 : index
      %get3A_250 = tpu.vector_load %arg12[%get3A_248, %get3A_249] {strides = array<i32>} : memref<80x128xf32, #tpu.memory_space<vmem>>, vector<1x16xf32>,
      %get3A_251 = vector.shape_cast %get3A_250 : vector<1x16xf32> to vector<16xf32>
      %get3A_252 = arith.index_cast %scan3A_180 : i32 to index
      %get3A_253 = arith.constant 64 : index
      %get3A_254 = tpu.vector_load %arg14[%get3A_252, %get3A_253] {strides = array<i32>} : memref<80x128xf32, #tpu.memory_space<vmem>>, vector<1x16xf32>,
      %get3A_255 = vector.shape_cast %get3A_254 : vector<1x16xf32> to vector<16xf32>
      %add3A_256 = arith.addf %get3A_251, %get3A_255 : vector<16xf32>
      %max3A_257 = arith.constant 0.000000e+00 : f32
      %max3A_258 = vector.broadcast %max3A_257 : f32 to vector<16xf32>
      %max3A_259 = arith.maximumf %add3A_256, %max3A_258 : vector<16xf32>
      %swap3A_260 = arith.index_cast %scan3A_180 : i32 to index
      %swap3A_261 = arith.constant 64 : index
      %swap3A_262 = tpu.vector_load %arg12[%swap3A_260, %swap3A_261] {strides = array<i32>} : memref<80x128xf32, #tpu.memory_space<vmem>>, vector<1x16xf32>,
      %swap3A_263 = vector.shape_cast %swap3A_262 : vector<1x16xf32> to vector<16xf32>
      %swap3A_264 = vector.shape_cast %max3A_259 : vector<16xf32> to vector<1x16xf32>
      tpu.vector_store %arg12[%swap3A_260, %swap3A_261], %swap3A_264 {strides = array<i32>} : memref<80x128xf32, #tpu.memory_space<vmem>>, vector<1x16xf32>,
      %get3A_265 = arith.index_cast %scan3A_180 : i32 to index
      %get3A_266 = arith.constant 80 : index
      %get3A_267 = tpu.vector_load %arg12[%get3A_265, %get3A_266] {strides = array<i32>} : memref<80x128xf32, #tpu.memory_space<vmem>>, vector<1x16xf32>,
      %get3A_268 = vector.shape_cast %get3A_267 : vector<1x16xf32> to vector<16xf32>
      %get3A_269 = arith.index_cast %scan3A_180 : i32 to index
      %get3A_270 = arith.constant 80 : index
      %get3A_271 = tpu.vector_load %arg14[%get3A_269, %get3A_270] {strides = array<i32>} : memref<80x128xf32, #tpu.memory_space<vmem>>, vector<1x16xf32>,
      %get3A_272 = vector.shape_cast %get3A_271 : vector<1x16xf32> to vector<16xf32>
      %add3A_273 = arith.addf %get3A_268, %get3A_272 : vector<16xf32>
      %max3A_274 = arith.constant 0.000000e+00 : f32
      %max3A_275 = vector.broadcast %max3A_274 : f32 to vector<16xf32>
      %max3A_276 = arith.maximumf %add3A_273, %max3A_275 : vector<16xf32>
      %swap3A_277 = arith.index_cast %scan3A_180 : i32 to index
      %swap3A_278 = arith.constant 80 : index
      %swap3A_279 = tpu.vector_load %arg12[%swap3A_277, %swap3A_278] {strides = array<i32>} : memref<80x128xf32, #tpu.memory_space<vmem>>, vector<1x16xf32>,
      %swap3A_280 = vector.shape_cast %swap3A_279 : vector<1x16xf32> to vector<16xf32>
      %swap3A_281 = vector.shape_cast %max3A_276 : vector<16xf32> to vector<1x16xf32>
      tpu.vector_store %arg12[%swap3A_277, %swap3A_278], %swap3A_281 {strides = array<i32>} : memref<80x128xf32, #tpu.memory_space<vmem>>, vector<1x16xf32>,
      %get3A_282 = arith.index_cast %scan3A_180 : i32 to index
      %get3A_283 = arith.constant 96 : index
      %get3A_284 = tpu.vector_load %arg12[%get3A_282, %get3A_283] {strides = array<i32>} : memref<80x128xf32, #tpu.memory_space<vmem>>, vector<1x16xf32>,
      %get3A_285 = vector.shape_cast %get3A_284 : vector<1x16xf32> to vector<16xf32>
      %get3A_286 = arith.index_cast %scan3A_180 : i32 to index
      %get3A_287 = arith.constant 96 : index
      %get3A_288 = tpu.vector_load %arg14[%get3A_286, %get3A_287] {strides = array<i32>} : memref<80x128xf32, #tpu.memory_space<vmem>>, vector<1x16xf32>,
      %get3A_289 = vector.shape_cast %get3A_288 : vector<1x16xf32> to vector<16xf32>
      %add3A_290 = arith.addf %get3A_285, %get3A_289 : vector<16xf32>
      %max3A_291 = arith.constant 0.000000e+00 : f32
      %max3A_292 = vector.broadcast %max3A_291 : f32 to vector<16xf32>
      %max3A_293 = arith.maximumf %add3A_290, %max3A_292 : vector<16xf32>
      %swap3A_294 = arith.index_cast %scan3A_180 : i32 to index
      %swap3A_295 = arith.constant 96 : index
      %swap3A_296 = tpu.vector_load %arg12[%swap3A_294, %swap3A_295] {strides = array<i32>} : memref<80x128xf32, #tpu.memory_space<vmem>>, vector<1x16xf32>,
      %swap3A_297 = vector.shape_cast %swap3A_296 : vector<1x16xf32> to vector<16xf32>
      %swap3A_298 = vector.shape_cast %max3A_293 : vector<16xf32> to vector<1x16xf32>
      tpu.vector_store %arg12[%swap3A_294, %swap3A_295], %swap3A_298 {strides = array<i32>} : memref<80x128xf32, #tpu.memory_space<vmem>>, vector<1x16xf32>,
      %get3A_299 = arith.index_cast %scan3A_180 : i32 to index
      %get3A_300 = arith.constant 112 : index
      %get3A_301 = tpu.vector_load %arg12[%get3A_299, %get3A_300] {strides = array<i32>} : memref<80x128xf32, #tpu.memory_space<vmem>>, vector<1x16xf32>,
      %get3A_302 = vector.shape_cast %get3A_301 : vector<1x16xf32> to vector<16xf32>
      %get3A_303 = arith.index_cast %scan3A_180 : i32 to index
      %get3A_304 = arith.constant 112 : index
      %get3A_305 = tpu.vector_load %arg14[%get3A_303, %get3A_304] {strides = array<i32>} : memref<80x128xf32, #tpu.memory_space<vmem>>, vector<1x16xf32>,
      %get3A_306 = vector.shape_cast %get3A_305 : vector<1x16xf32> to vector<16xf32>
      %add3A_307 = arith.addf %get3A_302, %get3A_306 : vector<16xf32>
      %max3A_308 = arith.constant 0.000000e+00 : f32
      %max3A_309 = vector.broadcast %max3A_308 : f32 to vector<16xf32>
      %max3A_310 = arith.maximumf %add3A_307, %max3A_309 : vector<16xf32>
      %swap3A_311 = arith.index_cast %scan3A_180 : i32 to index
      %swap3A_312 = arith.constant 112 : index
      %swap3A_313 = tpu.vector_load %arg12[%swap3A_311, %swap3A_312] {strides = array<i32>} : memref<80x128xf32, #tpu.memory_space<vmem>>, vector<1x16xf32>,
      %swap3A_314 = vector.shape_cast %swap3A_313 : vector<1x16xf32> to vector<16xf32>
      %swap3A_315 = vector.shape_cast %max3A_310 : vector<16xf32> to vector<1x16xf32>
      tpu.vector_store %arg12[%swap3A_311, %swap3A_312], %swap3A_315 {strides = array<i32>} : memref<80x128xf32, #tpu.memory_space<vmem>>, vector<1x16xf32>,
    }
    %scan3A_163 = arith.constant 80 : i32
    %dma_start3A_164 = arith.constant 0 : i32
    %dma_start3A_165 = arith.constant 0 : i32
    %dma_start3A_166 = tpu.memref_slice %arg17[%dma_start3A_164, %dma_start3A_165] : memref<10000x128xf32, #tpu.memory_space<vmem_shared>> -> memref<10000x128xf32, #tpu.memory_space<vmem_shared>>
    tpu.enqueue_indirect_dma source(%arg12 : memref<80x128xf32, #tpu.memory_space<vmem>>) target(%dma_start3A_166 : memref<10000x128xf32, #tpu.memory_space<vmem_shared>>) offsets(%arg10 : memref<80xi32, #tpu.memory_space<vmem>>) semaphore(%arg22 : memref<!tpu.dma_semaphore, #tpu.memory_space<semaphore_mem>>) {add = true}
    %dma_wait3A_167 = arith.constant 0 : i32
    %dma_wait3A_168 = arith.constant 0 : i32
    %dma_wait3A_169 = tpu.memref_slice %arg17[%dma_wait3A_167, %dma_wait3A_168] : memref<10000x128xf32, #tpu.memory_space<vmem_shared>> -> memref<10000x128xf32, #tpu.memory_space<vmem_shared>>
    tpu.wait_indirect_dma semaphore(%arg22 : memref<!tpu.dma_semaphore, #tpu.memory_space<semaphore_mem>>) src(%arg12 : memref<80x128xf32, #tpu.memory_space<vmem>>) dst(%dma_wait3A_169 : memref<10000x128xf32, #tpu.memory_space<vmem_shared>>)
    %barrier3A_170 = arith.constant 0 : index
    tpu.barrier barrier_id(%barrier3A_170)
    %mul3A_171 = arith.constant 624 : i32
    %mul3A_172 = arith.muli %arg1, %mul3A_171 : i32
    %mul3A_173 = arith.constant 624 : i32
    %mul3A_174 = arith.muli %arg1, %mul3A_173 : i32
    "tpu.region"() ({
      %run_scoped3A = tpu.sem_alloc : memref<!tpu.dma_semaphore, #tpu.memory_space<semaphore_mem>>
      %dma_start3A_180 = arith.constant 0 : i32
      %dma_start3A_181 = tpu.memref_slice %arg5[%arg0, %mul3A_174, %dma_start3A_180] : memref<2x10000x128xf32, #tpu.memory_space<hbm>> -> memref<1x624x128xf32, #tpu.memory_space<hbm>>
      %dma_start3A_182 = tpu.memref_squeeze %dma_start3A_181 : memref<1x624x128xf32, #tpu.memory_space<hbm>> -> memref<624x128xf32, #tpu.memory_space<hbm>>
      %dma_start3A_183 = arith.constant 0 : i32
      %dma_start3A_184 = tpu.memref_slice %arg17[%mul3A_172, %dma_start3A_183] : memref<10000x128xf32, #tpu.memory_space<vmem_shared>> -> memref<624x128xf32, #tpu.memory_space<vmem_shared>>
      tpu.enqueue_dma source(%dma_start3A_184 : memref<624x128xf32, #tpu.memory_space<vmem_shared>>) target(%dma_start3A_182 : memref<624x128xf32, #tpu.memory_space<hbm>>) target_semaphore(%run_scoped3A : memref<!tpu.dma_semaphore, #tpu.memory_space<semaphore_mem>>)
      %dma_wait3A_185 = arith.constant 0 : i32
      %dma_wait3A_186 = tpu.memref_slice %arg5[%arg0, %mul3A_174, %dma_wait3A_185] : memref<2x10000x128xf32, #tpu.memory_space<hbm>> -> memref<1x624x128xf32, #tpu.memory_space<hbm>>
      %dma_wait3A_187 = tpu.memref_squeeze %dma_wait3A_186 : memref<1x624x128xf32, #tpu.memory_space<hbm>> -> memref<624x128xf32, #tpu.memory_space<hbm>>
      %dma_wait3A_188 = arith.constant 0 : i32
      %dma_wait3A_189 = tpu.memref_slice %arg17[%mul3A_172, %dma_wait3A_188] : memref<10000x128xf32, #tpu.memory_space<vmem_shared>> -> memref<624x128xf32, #tpu.memory_space<vmem_shared>>
      tpu.wait_dma2 semaphore(%run_scoped3A : memref<!tpu.dma_semaphore, #tpu.memory_space<semaphore_mem>>) src(%dma_wait3A_189 : memref<624x128xf32, #tpu.memory_space<vmem_shared>>) dst(%dma_wait3A_187 : memref<624x128xf32, #tpu.memory_space<hbm>>)
      tpu.yield
    }) : () -> ()
    %eq3A_175 = arith.constant 15 : i32
    %eq3A_176 = arith.cmpi eq, %arg1, %eq3A_175 : i32
    %convert_element_type3A_177 = arith.extui %eq3A_176 : i1 to i32
    %cond3A_178 = arith.constant 0 : i32
    %cond3A_179 = arith.cmpi ne, %convert_element_type3A_177, %cond3A_178 : i32
    scf.if %cond3A_179 {
      "tpu.region"() ({
        %run_scoped3A = tpu.sem_alloc : memref<!tpu.dma_semaphore, #tpu.memory_space<semaphore_mem>>
        %dma_start3A_180 = arith.constant 9984 : i32
        %dma_start3A_181 = arith.constant 0 : i32
        %dma_start3A_182 = tpu.memref_slice %arg5[%arg0, %dma_start3A_180, %dma_start3A_181] : memref<2x10000x128xf32, #tpu.memory_space<hbm>> -> memref<1x16x128xf32, #tpu.memory_space<hbm>>
        %dma_start3A_183 = tpu.memref_squeeze %dma_start3A_182 : memref<1x16x128xf32, #tpu.memory_space<hbm>> -> memref<16x128xf32, #tpu.memory_space<hbm>>
        %dma_start3A_184 = arith.constant 9984 : i32
        %dma_start3A_185 = arith.constant 0 : i32
        %dma_start3A_186 = tpu.memref_slice %arg17[%dma_start3A_184, %dma_start3A_185] : memref<10000x128xf32, #tpu.memory_space<vmem_shared>> -> memref<16x128xf32, #tpu.memory_space<vmem_shared>>
        tpu.enqueue_dma source(%dma_start3A_186 : memref<16x128xf32, #tpu.memory_space<vmem_shared>>) target(%dma_start3A_183 : memref<16x128xf32, #tpu.memory_space<hbm>>) target_semaphore(%run_scoped3A : memref<!tpu.dma_semaphore, #tpu.memory_space<semaphore_mem>>)
        %dma_wait3A_187 = arith.constant 9984 : i32
        %dma_wait3A_188 = arith.constant 0 : i32
        %dma_wait3A_189 = tpu.memref_slice %arg5[%arg0, %dma_wait3A_187, %dma_wait3A_188] : memref<2x10000x128xf32, #tpu.memory_space<hbm>> -> memref<1x16x128xf32, #tpu.memory_space<hbm>>
        %dma_wait3A_190 = tpu.memref_squeeze %dma_wait3A_189 : memref<1x16x128xf32, #tpu.memory_space<hbm>> -> memref<16x128xf32, #tpu.memory_space<hbm>>
        %dma_wait3A_191 = arith.constant 9984 : i32
        %dma_wait3A_192 = arith.constant 0 : i32
        %dma_wait3A_193 = tpu.memref_slice %arg17[%dma_wait3A_191, %dma_wait3A_192] : memref<10000x128xf32, #tpu.memory_space<vmem_shared>> -> memref<16x128xf32, #tpu.memory_space<vmem_shared>>
        tpu.wait_dma2 semaphore(%run_scoped3A : memref<!tpu.dma_semaphore, #tpu.memory_space<semaphore_mem>>) src(%dma_wait3A_193 : memref<16x128xf32, #tpu.memory_space<vmem_shared>>) dst(%dma_wait3A_190 : memref<16x128xf32, #tpu.memory_space<hbm>>)
        tpu.yield
      }) : () -> ()
    } else {
    }
    return
  }
}

module attributes {stable_mosaic.version = 14 : i64} {
  func.func @_tc_pre_body(%arg0: i32, %arg1: memref<400x128xf32, #tpu.memory_space<vmem>>, %arg2: memref<128x128xf32, #tpu.memory_space<vmem>>, %arg3: memref<128x128xf32, #tpu.memory_space<vmem>>, %arg4: memref<128x128xf32, #tpu.memory_space<vmem>>, %arg5: memref<1x128xf32, #tpu.memory_space<vmem>>, %arg6: memref<1x128xf32, #tpu.memory_space<vmem>>, %arg7: memref<400x128xf32, #tpu.memory_space<vmem>>, %arg8: memref<400x128xf32, #tpu.memory_space<vmem>>, %arg9: memref<400x128xf32, #tpu.memory_space<vmem>>) attributes {dimension_semantics = [#tpu.dimension_semantics<arbitrary>], iteration_bounds = array<i64: 25>, scalar_prefetch = 0 : i64, scratch_operands = 0 : i64, tpu.core_type = #tpu.core_type<tc>, window_params = [{transform_indices = @transform_0, window_bounds = array<i64: 400, 128>}, {pipeline_mode = #tpu.pipeline_mode<synchronous>, transform_indices = @transform_1, window_bounds = array<i64: 128, 128>}, {pipeline_mode = #tpu.pipeline_mode<synchronous>, transform_indices = @transform_2, window_bounds = array<i64: 128, 128>}, {pipeline_mode = #tpu.pipeline_mode<synchronous>, transform_indices = @transform_3, window_bounds = array<i64: 128, 128>}, {pipeline_mode = #tpu.pipeline_mode<synchronous>, transform_indices = @transform_4, window_bounds = array<i64: 1, 128>}, {pipeline_mode = #tpu.pipeline_mode<synchronous>, transform_indices = @transform_5, window_bounds = array<i64: 1, 128>}, {transform_indices = @transform_6, window_bounds = array<i64: 400, 128>}, {transform_indices = @transform_7, window_bounds = array<i64: 400, 128>}, {transform_indices = @transform_8, window_bounds = array<i64: 400, 128>}]} {
    %get3A = arith.constant 0 : index
    %get3A_0 = arith.constant 0 : index
    %get3A_1 = vector.load %arg1[%get3A, %get3A_0] : memref<400x128xf32, #tpu.memory_space<vmem>>, vector<400x128xf32>
    %get3A_2 = arith.constant 0 : index
    %get3A_3 = arith.constant 0 : index
    %get3A_4 = vector.load %arg2[%get3A_2, %get3A_3] : memref<128x128xf32, #tpu.memory_space<vmem>>, vector<128x128xf32>
    %dot_general3A = arith.constant dense<0.000000e+00> : vector<400x128xf32>
    %dot_general3A_5 = tpu.matmul %get3A_1, %get3A_4, %dot_general3A {dimension_numbers = #tpu.dot_dimension_numbers<[1], [0], [0], [1], [0, 0, 1, 1], [], []>, transpose_lhs_hint = false} : vector<400x128xf32>, vector<128x128xf32>, vector<400x128xf32> -> vector<400x128xf32>
    %get3A_6 = arith.constant 0 : index
    %get3A_7 = arith.constant 0 : index
    %get3A_8 = vector.load %arg5[%get3A_6, %get3A_7] : memref<1x128xf32, #tpu.memory_space<vmem>>, vector<1x128xf32>
    %add3A = vector.broadcast %get3A_8 : vector<1x128xf32> to vector<400x128xf32>
    %add3A_9 = arith.addf %dot_general3A_5, %add3A : vector<400x128xf32>
    %swap3A = arith.constant 0 : index
    %swap3A_10 = arith.constant 0 : index
    %swap3A_11 = vector.load %arg7[%swap3A, %swap3A_10] : memref<400x128xf32, #tpu.memory_space<vmem>>, vector<400x128xf32>
    tpu.vector_store %arg7[%swap3A, %swap3A_10], %add3A_9 {strides = array<i32>} : memref<400x128xf32, #tpu.memory_space<vmem>>, vector<400x128xf32>,
    %get3A_12 = arith.constant 0 : index
    %get3A_13 = arith.constant 0 : index
    %get3A_14 = vector.load %arg3[%get3A_12, %get3A_13] : memref<128x128xf32, #tpu.memory_space<vmem>>, vector<128x128xf32>
    %dot_general3A_15 = arith.constant dense<0.000000e+00> : vector<400x128xf32>
    %dot_general3A_16 = tpu.matmul %get3A_1, %get3A_14, %dot_general3A_15 {dimension_numbers = #tpu.dot_dimension_numbers<[1], [0], [0], [1], [0, 0, 1, 1], [], []>, transpose_lhs_hint = false} : vector<400x128xf32>, vector<128x128xf32>, vector<400x128xf32> -> vector<400x128xf32>
    %swap3A_17 = arith.constant 0 : index
    %swap3A_18 = arith.constant 0 : index
    %swap3A_19 = vector.load %arg8[%swap3A_17, %swap3A_18] : memref<400x128xf32, #tpu.memory_space<vmem>>, vector<400x128xf32>
    tpu.vector_store %arg8[%swap3A_17, %swap3A_18], %dot_general3A_16 {strides = array<i32>} : memref<400x128xf32, #tpu.memory_space<vmem>>, vector<400x128xf32>,
    %get3A_20 = arith.constant 0 : index
    %get3A_21 = arith.constant 0 : index
    %get3A_22 = vector.load %arg4[%get3A_20, %get3A_21] : memref<128x128xf32, #tpu.memory_space<vmem>>, vector<128x128xf32>
    %dot_general3A_23 = arith.constant dense<0.000000e+00> : vector<400x128xf32>
    %dot_general3A_24 = tpu.matmul %get3A_1, %get3A_22, %dot_general3A_23 {dimension_numbers = #tpu.dot_dimension_numbers<[1], [0], [0], [1], [0, 0, 1, 1], [], []>, transpose_lhs_hint = false} : vector<400x128xf32>, vector<128x128xf32>, vector<400x128xf32> -> vector<400x128xf32>
    %get3A_25 = arith.constant 0 : index
    %get3A_26 = arith.constant 0 : index
    %get3A_27 = vector.load %arg6[%get3A_25, %get3A_26] : memref<1x128xf32, #tpu.memory_space<vmem>>, vector<1x128xf32>
    %add3A_28 = vector.broadcast %get3A_27 : vector<1x128xf32> to vector<400x128xf32>
    %add3A_29 = arith.addf %dot_general3A_24, %add3A_28 : vector<400x128xf32>
    %swap3A_30 = arith.constant 0 : index
    %swap3A_31 = arith.constant 0 : index
    %swap3A_32 = vector.load %arg9[%swap3A_30, %swap3A_31] : memref<400x128xf32, #tpu.memory_space<vmem>>, vector<400x128xf32>
    tpu.vector_store %arg9[%swap3A_30, %swap3A_31], %add3A_29 {strides = array<i32>} : memref<400x128xf32, #tpu.memory_space<vmem>>, vector<400x128xf32>,
    return
  }
  func.func @transform_0(%arg0: i32) -> (i32, i32) {
    %c0_i32 = arith.constant 0 : i32
    %c0_i32_0 = arith.constant 0 : i32
    return %arg0, %c0_i32 : i32, i32
  }
  func.func @transform_1(%arg0: i32) -> (i32, i32) {
    %c0_i32 = arith.constant 0 : i32
    %c0_i32_0 = arith.constant 0 : i32
    %c0_i32_1 = arith.constant 0 : i32
    return %c0_i32, %c0_i32_0 : i32, i32
  }
  func.func @transform_2(%arg0: i32) -> (i32, i32) {
    %c0_i32 = arith.constant 0 : i32
    %c0_i32_0 = arith.constant 0 : i32
    %c0_i32_1 = arith.constant 0 : i32
    return %c0_i32, %c0_i32_0 : i32, i32
  }
  func.func @transform_3(%arg0: i32) -> (i32, i32) {
    %c0_i32 = arith.constant 0 : i32
    %c0_i32_0 = arith.constant 0 : i32
    %c0_i32_1 = arith.constant 0 : i32
    return %c0_i32, %c0_i32_0 : i32, i32
  }
  func.func @transform_4(%arg0: i32) -> (i32, i32) {
    %c0_i32 = arith.constant 0 : i32
    %c0_i32_0 = arith.constant 0 : i32
    %c0_i32_1 = arith.constant 0 : i32
    return %c0_i32, %c0_i32_0 : i32, i32
  }
  func.func @transform_5(%arg0: i32) -> (i32, i32) {
    %c0_i32 = arith.constant 0 : i32
    %c0_i32_0 = arith.constant 0 : i32
    %c0_i32_1 = arith.constant 0 : i32
    return %c0_i32, %c0_i32_0 : i32, i32
  }
  func.func @transform_6(%arg0: i32) -> (i32, i32) {
    %c0_i32 = arith.constant 0 : i32
    %c0_i32_0 = arith.constant 0 : i32
    return %arg0, %c0_i32 : i32, i32
  }
  func.func @transform_7(%arg0: i32) -> (i32, i32) {
    %c0_i32 = arith.constant 0 : i32
    %c0_i32_0 = arith.constant 0 : i32
    return %arg0, %c0_i32 : i32, i32
  }
  func.func @transform_8(%arg0: i32) -> (i32, i32) {
    %c0_i32 = arith.constant 0 : i32
    %c0_i32_0 = arith.constant 0 : i32
    return %arg0, %c0_i32 : i32, i32
  }
}

module attributes {stable_mosaic.version = 14 : i64} {
  func.func @_tc_post_body(%arg0: i32, %arg1: memref<400x128xf32, #tpu.memory_space<vmem>>, %arg2: memref<400x128xf32, #tpu.memory_space<vmem>>, %arg3: memref<400x128xf32, #tpu.memory_space<vmem>>, %arg4: memref<128x128xf32, #tpu.memory_space<vmem>>, %arg5: memref<400x128xf32, #tpu.memory_space<vmem>>) attributes {dimension_semantics = [#tpu.dimension_semantics<arbitrary>], iteration_bounds = array<i64: 25>, scalar_prefetch = 0 : i64, scratch_operands = 0 : i64, tpu.core_type = #tpu.core_type<tc>, window_params = [{transform_indices = @transform_0, window_bounds = array<i64: 400, 128>}, {transform_indices = @transform_1, window_bounds = array<i64: 400, 128>}, {transform_indices = @transform_2, window_bounds = array<i64: 400, 128>}, {pipeline_mode = #tpu.pipeline_mode<synchronous>, transform_indices = @transform_3, window_bounds = array<i64: 128, 128>}, {transform_indices = @transform_4, window_bounds = array<i64: 400, 128>}]} {
    %get3A = arith.constant 0 : index
    %get3A_0 = arith.constant 0 : index
    %get3A_1 = vector.load %arg2[%get3A, %get3A_0] : memref<400x128xf32, #tpu.memory_space<vmem>>, vector<400x128xf32>
    %get3A_2 = arith.constant 0 : index
    %get3A_3 = arith.constant 0 : index
    %get3A_4 = vector.load %arg3[%get3A_2, %get3A_3] : memref<400x128xf32, #tpu.memory_space<vmem>>, vector<400x128xf32>
    %add3A = arith.addf %get3A_1, %get3A_4 : vector<400x128xf32>
    %get3A_5 = arith.constant 0 : index
    %get3A_6 = arith.constant 0 : index
    %get3A_7 = vector.load %arg1[%get3A_5, %get3A_6] : memref<400x128xf32, #tpu.memory_space<vmem>>, vector<400x128xf32>
    %get3A_8 = arith.constant 0 : index
    %get3A_9 = arith.constant 0 : index
    %get3A_10 = vector.load %arg4[%get3A_8, %get3A_9] : memref<128x128xf32, #tpu.memory_space<vmem>>, vector<128x128xf32>
    %dot_general3A = arith.constant dense<0.000000e+00> : vector<400x128xf32>
    %dot_general3A_11 = tpu.matmul %add3A, %get3A_10, %dot_general3A {dimension_numbers = #tpu.dot_dimension_numbers<[1], [0], [0], [1], [0, 0, 1, 1], [], []>, transpose_lhs_hint = false} : vector<400x128xf32>, vector<128x128xf32>, vector<400x128xf32> -> vector<400x128xf32>
    %add3A_12 = arith.addf %get3A_7, %dot_general3A_11 : vector<400x128xf32>
    %max3A = arith.constant 0.000000e+00 : f32
    %max3A_13 = vector.broadcast %max3A : f32 to vector<400x128xf32>
    %max3A_14 = arith.maximumf %add3A_12, %max3A_13 : vector<400x128xf32>
    %swap3A = arith.constant 0 : index
    %swap3A_15 = arith.constant 0 : index
    %swap3A_16 = vector.load %arg5[%swap3A, %swap3A_15] : memref<400x128xf32, #tpu.memory_space<vmem>>, vector<400x128xf32>
    tpu.vector_store %arg5[%swap3A, %swap3A_15], %max3A_14 {strides = array<i32>} : memref<400x128xf32, #tpu.memory_space<vmem>>, vector<400x128xf32>,
    return
  }
  func.func @transform_0(%arg0: i32) -> (i32, i32) {
    %c0_i32 = arith.constant 0 : i32
    %c0_i32_0 = arith.constant 0 : i32
    return %arg0, %c0_i32 : i32, i32
  }
  func.func @transform_1(%arg0: i32) -> (i32, i32) {
    %c0_i32 = arith.constant 0 : i32
    %c0_i32_0 = arith.constant 0 : i32
    return %arg0, %c0_i32 : i32, i32
  }
  func.func @transform_2(%arg0: i32) -> (i32, i32) {
    %c0_i32 = arith.constant 0 : i32
    %c0_i32_0 = arith.constant 0 : i32
    return %arg0, %c0_i32 : i32, i32
  }
  func.func @transform_3(%arg0: i32) -> (i32, i32) {
    %c0_i32 = arith.constant 0 : i32
    %c0_i32_0 = arith.constant 0 : i32
    %c0_i32_1 = arith.constant 0 : i32
    return %c0_i32, %c0_i32_0 : i32, i32
  }
  func.func @transform_4(%arg0: i32) -> (i32, i32) {
    %c0_i32 = arith.constant 0 : i32
    %c0_i32_0 = arith.constant 0 : i32
    return %arg0, %c0_i32 : i32, i32
  }
}

</mosaic_0001>

<sc_bundles>
// kernel: kernel.5.cloned.1.call-start
scs
__scs_entry_jumppad:
0x0: {  	(pc) =	sbr.rel $0x88, $3  }
0x1: {  	(tag) =	ssettag $0x0;
	lr =	simm.s32 $0x1  }
0x2: {  	[smem:$0x3F99] =	sst lr;
	_ =	strace $0xD0000000  }
0x3: {  	_ = 	snop  }
0x4: {  	_ = 	snop  }
0x5: {  	_ = 	snop  }
0x6: {  	_ = 	snop  }
0x7: {  	_ = 	snop  }
__scs_overlays_trampoline_lowered:
0x8: {  	[smem:$0x3FA8] =	sst s0  }
0x9: {  	[smem:$0x3FA9] =	sst s1  }
0xa: {  	[smem:$0x3FAA] =	sst s2  }
0xb: {  	[smem:$0x3FAB] =	sst s3  }
0xc: {  	[smem:$0x3FAC] =	sst s4  }
0xd: {  	[smem:$0x3FAD] =	sst s5  }
0xe: {  	[smem:$0x3FAE] =	sst s6  }
0xf: {  	[smem:$0x3FAF] =	sst s7  }
0x10: {  	[smem:$0x3FB0] =	sst s8  }
0x11: {  	[smem:$0x3FB1] =	sst s9;
	s0 =	simm.s32 @!p0 $0x0  }
0x12: {  	s1 =	sld [smem:$0x3F97];
	s0 =	simm.s32 @p0 $0x1  }
0x13: {  	[smem:$0x3FB2] =	sst s0;
	s0 =	simm.s32 @!p1 $0x0  }
0x14: {  	s2 =	sld [smem:$0x3F96];
	s0 =	simm.s32 @p1 $0x1  }
0x15: {  	[smem:$0x3FB3] =	sst s0;
	s0 =	simm.s32 @!p2 $0x0  }
0x16: {  	s3 =	sld [smem:$0x3FDB];
	s0 =	simm.s32 @p2 $0x1  }
0x17: {  	s4 =	simm.s32 $0x1BF5;
	[smem:$0x3FB5] =	sst s0  }
0x18: {  	s0 =	sld [smem:$0x3F98];
	_ =	swait.ge [sflag:s4], $0x0  }
0x19: {  	s7 =	sld [smem:$0x3F99]  }
0x1a: {  	s8 =	sadd.s32 $0xFFFFE003, lr  }
0x1b: {  	s9 =	sadd.s32 $0xFFFFFEF7, lr;
	s5 =	simm.s32 $0xFFFFFFFF;
	p2 =	slt.u32 s8, $0xFFFFF086  }
0x1c: {  	p1 =	slt.u32 s9, $0xF7A;
	s5 =	simm.s32 @!p2 $0x0  }
0x1d: {  	s5 =	simm.s32 @p1 $0x1;
	p0 =	seq.s32 s7, s2  }
0x1e: {  	s7 =	smul.u32 @!p0 $0xF7A, s2;
	p2 =	seq.s32 @!p0 s5, $0x0  }
0x1f: {  	s9 =	smul.u32 $0xF7A, s1;
	s8 =	simm.s32 @!p0 $0x1BF5;
	p2 =	por !p2, p0  }
0x20: {  	[sflag:s8] =	ssyncset.s32 @!p0 $0xFFFFF086;
	s6 =	sadd.s32 @!p0 s3, s7;
	s7 =	simm.s32 @!p0 $0x108  }
0x21: {  	s3 =	sadd.s32 s3, s9;
	s6 =	sadd.s32 @!p0 $0x88, s6;
	s7 =	simm.s32 @p2 $0x1082  }
0x22: {  	[simem:s7], [sflag:s8] =	dma.local @!p0 [hbm:s6], $0xF7A  }
0x23: {  	s9 =	sor.u32 $0xD0000000, s2;
	s6 =	simm.s32 $0x108;
	_ =	swait.ge @!p0 [sflag:s8], $0x0  }
0x24: {  	s3 =	sadd.s32 $0x88, s3;
	s6 =	simm.s32 @!p1 $0x1082;
	[sflag:s4] =	ssyncset.s32 $0xFFFFF086  }
0x25: {  	[simem:s6], [sflag:s4] =	dma.local [hbm:s3], $0xF7A  }
0x26: {  	[smem:$0x3F99] =	sst s1;
	(tag) =	ssettag s2;
	_ =	strace s9  }
0x27: {  	s1 =	sld [smem:$0x3FA9]  }
0x28: {  	s2 =	sld [smem:$0x3FAA]  }
0x29: {  	s4 =	sld [smem:$0x3FAC]  }
0x2a: {  	p0 =	seq.s32 s5, $0x0;
	s5 =	sld [smem:$0x3FAD]  }
0x2b: {  	s6 =	sld [smem:$0x3FAE]  }
0x2c: {  	s7 =	sld [smem:$0x3FAF]  }
0x2d: {  	s3 =	simm.s32 $0x108;
	s8 =	sld [smem:$0x3FB0]  }
0x2e: {  	s3 =	simm.s32 @!p0 $0x1082;
	s9 =	sld [smem:$0x3FB1]  }
0x2f: {  	lr =	sadd.s32 s0, s3;
	s0 =	sld [smem:$0x3FA8]  }
0x30: {  	s3 =	sld [smem:$0x3FAB]  }
0x31: {  	[smem:$0x3FB4] =	sst s10  }
0x32: {  	s10 =	sld [smem:$0x3FB2];
	_ =	sdelay $0x3  }
0x33: {  	p0 =	seq.s32 s10, $0x1;
	s10 =	sld [smem:$0x3FB4];
	_ =	sdelay $0x3  }
0x34: {  	[smem:$0x3FB4] =	sst s10  }
0x35: {  	s10 =	sld [smem:$0x3FB3];
	_ =	sdelay $0x3  }
0x36: {  	p1 =	seq.s32 s10, $0x1;
	s10 =	sld [smem:$0x3FB4];
	_ =	sdelay $0x3  }
0x37: {  	[smem:$0x3FB4] =	sst s10  }
0x38: {  	s10 =	sld [smem:$0x3FB5]  }
0x39: {  	_ = 	snop;
	(pc) =	sbr.ind lr, $3  }
0x3a: {  	_ = 	snop  }
0x3b: {  	_ = 	snop  }
0x3c: {  	p2 =	seq.s32 s10, $0x1;
	s10 =	sld [smem:$0x3FB4]  }
0x3d: {  	_ =	shalt  }
0x3e: {  	_ =	shalt  }
0x3f: {  	_ =	shalt  }
0x40: {  	_ =	shalt  }
0x41: {  	_ =	shalt  }
0x42: {  	_ =	shalt  }
0x43: {  	_ =	shalt  }
0x44: {  	_ =	shalt  }
0x45: {  	_ =	shalt  }
0x46: {  	_ =	shalt  }
0x47: {  	_ =	shalt  }
0x48: {  	_ =	shalt  }
0x49: {  	_ =	shalt  }
0x4a: {  	_ =	shalt  }
0x4b: {  	_ =	shalt  }
0x4c: {  	_ =	shalt  }
0x4d: {  	_ =	shalt  }
0x4e: {  	_ =	shalt  }
0x4f: {  	_ =	shalt  }
0x50: {  	_ =	shalt  }
0x51: {  	_ =	shalt  }
0x52: {  	_ =	shalt  }
0x53: {  	_ =	shalt  }
0x54: {  	_ =	shalt  }
0x55: {  	_ =	shalt  }
0x56: {  	_ =	shalt  }
0x57: {  	_ =	shalt  }
0x58: {  	_ =	shalt  }
0x59: {  	_ =	shalt  }
0x5a: {  	_ =	shalt  }
0x5b: {  	_ =	shalt  }
0x5c: {  	_ =	shalt  }
0x5d: {  	_ =	shalt  }
0x5e: {  	_ =	shalt  }
0x5f: {  	_ =	shalt  }
0x60: {  	_ =	shalt  }
0x61: {  	_ =	shalt  }
0x62: {  	_ =	shalt  }
0x63: {  	_ =	shalt  }
0x64: {  	_ =	shalt  }
0x65: {  	_ =	shalt  }
0x66: {  	_ =	shalt  }
0x67: {  	_ =	shalt  }
0x68: {  	_ =	shalt  }
0x69: {  	_ =	shalt  }
0x6a: {  	_ =	shalt  }
0x6b: {  	_ =	shalt  }
0x6c: {  	_ =	shalt  }
0x6d: {  	_ =	shalt  }
0x6e: {  	_ =	shalt  }
0x6f: {  	_ =	shalt  }
0x70: {  	_ =	shalt  }
0x71: {  	_ =	shalt  }
0x72: {  	_ =	shalt  }
0x73: {  	_ =	shalt  }
0x74: {  	_ =	shalt  }
0x75: {  	_ =	shalt  }
0x76: {  	_ =	shalt  }
0x77: {  	_ =	shalt  }
0x78: {  	_ =	shalt  }
0x79: {  	_ =	shalt  }
0x7a: {  	_ =	shalt  }
0x7b: {  	_ =	shalt  }
0x7c: {  	_ =	shalt  }
0x7d: {  	_ =	shalt  }
0x7e: {  	_ =	shalt  }
0x7f: {  	_ =	shalt  }
0x80: {  	_ =	shalt  }
0x81: {  	_ =	shalt  }
0x82: {  	_ =	shalt  }
0x83: {  	_ =	shalt  }
0x84: {  	_ =	shalt  }
0x85: {  	_ =	shalt  }
0x86: {  	_ =	shalt  }
0x87: {  	_ =	shalt  }
.Lfunc_end0:
.L_simem_size_0:
called_computation_lowered:
.L_overlay_start_0:
0x88: {  	s2 =	sld [smem:$0x3FD9]  }
0x89: {  	s3 =	sld [smem:$0x3FFE];
	_ =	sdelay $0x1  }
0x8a: {  	s1 =	srdreg.scid  }
0x8b: {  	s0 =	sand.u32 $0x1, s1  }
0x8c: {  	s17 =	sshll.u32 s0, $0xA;
	s2 =	sadd.s32 s3, s2  }
0x8d: {  	s2 =	sadd.s32 s2, s17  }
0x8e: {  	[smem:$0x3FC0] =	sst s2  }
0x8f: {  	_ = 	snop  }
0x90: {  	s2 =	sld [smem:$0x3FD0];
	(tm) =	ssettm $0x1  }
0x91: {  	s18 =	sld [smem:$0x3FFB];
	_ =	sdelay $0x3  }
0x92: {  	_ =	strace s18  }
0x93: {  	s3 =	sld [smem:$0x3FFC];
	_ =	sdelay $0x3  }
0x94: {  	_ =	strace s3  }
0x95: {  	s3 =	sld [smem:$0x3FFD];
	_ =	sdelay $0x3  }
0x96: {  	_ =	strace s3  }
0x97: {  	_ =	strace $0x8FFFFFFF  }
0x98: {  	s19 =	sld [smem:$0x3FDB];
	_ =	sdelay $0x1  }
0x99: {  	s4 =	simm.s32 $_scs_section_size  }
0x9a: {  	s5 =	simm.s32 $_size__tile_overlayer_lowered;
	s6 =	simm.s32 $_tile_overlayer_lowered  }
0x9b: {  	s22 =	simm.s32 $0x1BFF;
	s21 =	sshll.u32 s6, $0x1;
	s3 =	sadd.s32 s4, s19  }
0x9c: {  	s7 =	simm.s32 $0x0;
	s20 =	sshll.u32 s5, $0x1;
	s5 =	sadd.s32 s21, s3  }
0x9d: {  	[timem:s7], [sflag:s22] =	dma.local [hbm:s5], s20  }
0x9e: {  	_ =	swait.ge [sflag:s22], s20  }
0x9f: {  	s4 =	ssub.s32 $0x0, s20;
	[sflag:s22] =	ssyncset.done $0x0  }
0xa0: {  	[sflag:s22] =	ssyncadd.s32 s4;
	_ =	sdelay $0x1  }
0xa1: {  	s23 =	simm.s32 $0x1B8B  }
0xa2: {  	_ =	swait.ge [sflag:s23], $0x1  }
0xa3: {  	[sflag:s23] =	ssyncset.done $0x0  }
0xa4: {  	s25 =	simm.s32 $0x1B8E;
	s24 =	sld [smem:$0x3FFE];
	[sflag:s23] =	ssyncadd.s32 $0xFFFFFFFF  }
0xa5: {  	s26 =	simm.s32 $execute0_lowered;
	[smem:$0x3FD2] =	sst s25  }
0xa6: {  	s5 =	sshll.u32 s26, $0x1;
	_ =	strace $0x80000046;
	[dreg:$0x1] =	wrdreg $0xFFFFFFFF  }
0xa7: {  	s28 =	simm.s32 $_size_execute0_lowered;
	s3 =	sadd.s32 s3, s5;
	[dreg:$0x0] =	wrdreg $0x0  }
0xa8: {  	s5 =	sshll.u32 s28, $0x1;
	[dreg:$0x2] =	wrdreg s3  }
0xa9: {  	[dreg:$0x3] =	wrdreg s5  }
0xaa: {  	[dreg:$0x4] =	wrdreg $0xC0  }
0xab: {  	_ =	task [dreg:s7], $0x5FFFF  }
0xac: {  	[dreg:$0x1] =	wrdreg $0xFFFFFFFF  }
0xad: {  	[dreg:$0x0] =	wrdreg $0x60  }
0xae: {  	[dreg:$0x2] =	wrdreg s2  }
0xaf: {  	[dreg:$0x3] =	wrdreg s24  }
0xb0: {  	[dreg:$0x4] =	wrdreg $0xBB000  }
0xb1: {  	[dreg:$0x5] =	wrdreg $0x9  }
0xb2: {  	_ =	task.clear_ibuf [dreg:s7], $0x6FFFF;
	_ =	strace $0x90000046  }
0xb3: {  	s29 =	simm.s32 $0x9;
	_ =	strace $0x80000048  }
0xb4: {  	_ =	swait.ge [sflag:s29], $0x1  }
0xb5: {  	[sflag:s29] =	ssyncadd.s32 $0xFFFFFFFF  }
0xb6: {  	_ =	strace $0x90000048  }
0xb7: {  	_ =	sfence  }
0xb8: {  	s30 =	sld [smem:$0x0];
	_ =	sdelay $0x2  }
0xb9: {  	s31 =	sshll.u32 s1, $0xD;
	s1 =	sshrl.u32 s1, $0x2  }
0xba: {  	s3 =	sand.u32 $0x4000, s31;
	s1 =	sadd.s32 s1, s30  }
0xbb: {  	s0 =	sor.u32 s3, s0;
	s1 =	sshll.u32 s1, $0x11  }
0xbc: {  	s0 =	sor.u32 s1, s0  }
0xbd: {  	s0 =	sadd.s32 $0x8F2B, s0  }
0xbe: {  	[sflag:s0] =	ssyncadd.remote.s32 $0x1  }
0xbf: {  	_ =	sfence.sel $0xFFFF  }
0xc0: {  	[dreg:$0x0] =	wrdreg $0xFFFFFFFF;
	(pc) =	sbr.abs _section_cstart, $3  }
0xc1: {  	[dreg:$0x1] =	wrdreg $0xFFFFFFFF  }
0xc2: {  	_ =	task.clear_ibuf [dreg:s7], $0x2FFFF;
	_ =	strace $0x9FFFFFFF  }
0xc3: {  	(tm) =	ssettm $0x7FFFFFFF  }
tec
execute0_lowered:
.L_overlay_start_1:
0x0: {  	(tag) =	ssettag $0x1  }
0x1: {  	s1 =	rddreg [dreg:$0x0]  }
0x2: {  	s0 =	rddreg [dreg:$0x1]  }
0x3: {  	s2 =	rddreg [dreg:$0x2];
	s4 =	simm.s32 $0x0  }
0x4: {  	s3 =	srdreg.scid;
	s11 =	stileid.u32;
	s31 =	simm.s32 $0xA300  }
0x5: {  	s28 =	simm.s32 $0x4;
	s29 =	simm.s32 $0x5;
	s7 =	smul.u32 $0x4E000, s11  }
0x6: {  	s30 =	simm.s32 $0x280;
	[smem:$0x7FF] =	sst s4;
	s5 =	sadd.s32 $0x15400, s0  }
0x7: {  	s3 =	sand.u32 $0x1, s3;
	s6 =	sadd.s32 $0x1A00, s0;
	s7 =	sshrl.u32 s7, $0x2  }
0x8: {  	s0 =	sadd.s32 $0x3C600, s0;
	s10 =	sshll.u32 s11, $0x1;
	s14 =	sadd.s32 s7, s2  }
0x9: {  	_ =	strace $0x80000047;
	s7 =	sadd.s32 $0x1800, s14;
	[dreg:$0x4] =	wrdreg s14  }
0xa: {  	s12 =	smul.u32 $0x13800, s11;
	s22 =	sadd.s32 $0x3000, s14;
	[dreg:$0x5] =	wrdreg s7  }
0xb: {  	p0 =	sne.s32 s11, $0xF;
	s23 =	sadd.s32 $0x4800, s14;
	[dreg:$0x6] =	wrdreg s22  }
0xc: {  	s8 =	ssub.s32 $0x2, s3;
	s24 =	sadd.s32 $0x6000, s14;
	[dreg:$0x7] =	wrdreg s23  }
0xd: {  	s21 =	sor.u32 s3, s10;
	s25 =	sadd.s32 $0x7800, s14;
	[dreg:$0x8] =	wrdreg s24  }
0xe: {  	s3 =	smul.u32 $0x138800, s3;
	s26 =	sadd.s32 $0x9000, s14;
	[dreg:$0x9] =	wrdreg s25  }
0xf: {  	s9 =	sshrl.u32 s8, $0x1;
	s10 =	sadd.s32 $0xA800, s14;
	[dreg:$0xa] =	wrdreg s26  }
0x10: {  	s8 =	ssub.s32 s8, s9;
	s13 =	sadd.s32 $0xC000, s14;
	[dreg:$0xb] =	wrdreg s10  }
0x11: {  	s9 =	smul.u32 $0x2710, s21;
	s15 =	sadd.s32 $0xD800, s14;
	[dreg:$0xc] =	wrdreg s13  }
0x12: {  	s16 =	sadd.s32 $0xF000, s14;
	s17 =	sadd.s32 $0x10800, s14;
	[dreg:$0xd] =	wrdreg s15  }
0x13: {  	s18 =	sadd.s32 $0x12000, s14;
	s20 =	smax.u32 s8, $0x1;
	[dreg:$0xe] =	wrdreg s16  }
0x14: {  	s8 =	simm.s32 $0x80;
	[dreg:$0xf] =	wrdreg s17;
	s7 =	sadd.s32 s12, s3  }
0x15: {  	[dreg:$0x10] =	wrdreg s18;
	s19 =	sshrl.u32 s9, $0x3;
	s3 =	sshrl.u32 s3, $0x3  }
0x16: {  	s22 =	sadd.s32 $0xA0, s9;
	s23 =	sadd.s32 $0xF0, s9;
	[dreg:$0x14] =	wrdreg s20  }
0x17: {  	s26 =	sadd.s32 $0x138000, s2;
	s9 =	simm.s32 $0x180;
	s12 =	simm.s32 $0x50  }
0x18: {  	s13 =	simm.s32 $0x300;
	s15 =	simm.s32 $0x1;
	s16 =	simm.s32 $0x3  }
0x19: {  	s17 =	simm.s32 $0x8;
	s18 =	simm.s32 $0xA;
	s20 =	simm.s32 $0x0  }
0x1a: {  	s7 =	sshrl.u32 s7, $0x3;
	s10 =	sadd.s32 s6, s19;
	[dreg:$0x15] =	wrdreg s26  }
0x1b: {  	s19 =	simm.s32 $0x2B00;
	s7 =	sadd.s32 s0, s7;
	[dreg:$0x11] =	wrdreg s10  }
0x1c: {  	s0 =	sadd.s32 s0, s3;
	s21 =	sadd.s32 $0x9C40, s10;
	[dreg:$0x12] =	wrdreg s7  }
0x1d: {  	s24 =	sadd.s32 $0xA, s10;
	s25 =	sadd.s32 $0x9C4A, s10;
	[dreg:$0x16] =	wrdreg s21  }
0x1e: {  	s3 =	simm.s32 $0x100;
	s0 =	sadd.s32 $0x27000, s0;
	[dreg:$0x17] =	wrdreg s24  }
0x1f: {  	[dreg:$0x18] =	wrdreg s25;
	s21 =	simm.s32 $0x7B00;
	s24 =	simm.s32 $0x200  }
0x20: {  	v0 =	vimm.f32 $0.0e+00;
	s25 =	simm.s32 $0x2;
	[dreg:$0x13] =	wrdreg s0;
	s0 =	simm.s32 $0xB  }
.LBB2_1:
0x21: {  	s7 =	simm.s32 $0x0;
	s10 =	simm.s32 $0x200  }
.LBB2_2:
0x22: {  	p1 =	sne.s32 s10, $0x5E00;
	[tilespmem:s7+$0xA370] =	vst v0  }
0x23: {  	[tilespmem:s7+$0xA300] =	vst v0  }
0x24: {  	[tilespmem:s7+$0xA310] =	vst v0  }
.Ltmp0:
0x25: {  	[tilespmem:s7+$0xA320] =	vst v0;
	(pc) =	sbr.rel @p1 .LBB2_2-.Ltmp0, $4  }
0x26: {  	[tilespmem:s7+$0xA330] =	vst v0  }
0x27: {  	[tilespmem:s7+$0xA340] =	vst v0  }
0x28: {  	[tilespmem:s7+$0xA350] =	vst v0  }
0x29: {  	[tilespmem:s7+$0xA360] =	vst v0;
	s7 =	sshra.s32 s10, $0x2;
	s10 =	sadd.s32 $0x200, s10  }
0x2a: {  	[tilespmem:s7+$0xA370] =	vst v0  }
0x2b: {  	[tilespmem:s7+$0xA300] =	vst v0  }
0x2c: {  	[tilespmem:s7+$0xA310] =	vst v0  }
0x2d: {  	[tilespmem:s7+$0xA320] =	vst v0  }
0x2e: {  	[tilespmem:s7+$0xA330] =	vst v0  }
0x2f: {  	[tilespmem:s7+$0xA340] =	vst v0  }
0x30: {  	[tilespmem:s7+$0xA350] =	vst v0  }
0x31: {  	[tilespmem:s7+$0xA360] =	vst v0  }
0x32: {  	[spmem:s14] =	stream.linear.scatter [tilespmem:s31], [sflag:$0xB], $0x1800, $0x38;
	[tilespmem:$0x1F380] =	vst v63  }
0x33: {  	_ =	swait.ge [sflag:s0], $0x1800  }
0x34: {  	[sflag:s0] =	ssyncset.done $0x0  }
0x35: {  	s10 =	rddreg [dreg:$0x5];
	[sflag:s0] =	ssyncadd.s32 $0xFFFFE800  }
0x36: {  	[spmem:s10] =	stream.linear.scatter [tilespmem:s31], [sflag:$0xB], $0x1800, $0x38;
	[tilespmem:$0x1F380] =	vst v63  }
0x37: {  	_ =	swait.ge [sflag:s0], $0x1800  }
0x38: {  	[sflag:s0] =	ssyncset.done $0x0  }
0x39: {  	s11 =	rddreg [dreg:$0x6];
	[sflag:s0] =	ssyncadd.s32 $0xFFFFE800  }
0x3a: {  	[spmem:s11] =	stream.linear.scatter [tilespmem:s31], [sflag:$0xB], $0x1800, $0x38;
	[tilespmem:$0x1F380] =	vst v63  }
0x3b: {  	_ =	swait.ge [sflag:s0], $0x1800  }
0x3c: {  	[sflag:s0] =	ssyncset.done $0x0  }
0x3d: {  	s14 =	rddreg [dreg:$0x7];
	[sflag:s0] =	ssyncadd.s32 $0xFFFFE800  }
0x3e: {  	[spmem:s14] =	stream.linear.scatter [tilespmem:s31], [sflag:$0xB], $0x1800, $0x38;
	[tilespmem:$0x1F380] =	vst v63  }
0x3f: {  	_ =	swait.ge [sflag:s0], $0x1800  }
0x40: {  	[sflag:s0] =	ssyncset.done $0x0  }
0x41: {  	s10 =	rddreg [dreg:$0x8];
	[sflag:s0] =	ssyncadd.s32 $0xFFFFE800  }
0x42: {  	[spmem:s10] =	stream.linear.scatter [tilespmem:s31], [sflag:$0xB], $0x1800, $0x38;
	[tilespmem:$0x1F380] =	vst v63  }
0x43: {  	_ =	swait.ge [sflag:s0], $0x1800  }
0x44: {  	[sflag:s0] =	ssyncset.done $0x0  }
0x45: {  	s11 =	rddreg [dreg:$0x9];
	[sflag:s0] =	ssyncadd.s32 $0xFFFFE800  }
0x46: {  	[spmem:s11] =	stream.linear.scatter [tilespmem:s31], [sflag:$0xB], $0x1800, $0x38;
	[tilespmem:$0x1F380] =	vst v63  }
0x47: {  	_ =	swait.ge [sflag:s0], $0x1800  }
0x48: {  	[sflag:s0] =	ssyncset.done $0x0  }
0x49: {  	s14 =	rddreg [dreg:$0xa];
	[sflag:s0] =	ssyncadd.s32 $0xFFFFE800  }
0x4a: {  	[spmem:s14] =	stream.linear.scatter [tilespmem:s31], [sflag:$0xB], $0x1800, $0x38;
	[tilespmem:$0x1F380] =	vst v63  }
0x4b: {  	_ =	swait.ge [sflag:s0], $0x1800  }
0x4c: {  	[sflag:s0] =	ssyncset.done $0x0  }
0x4d: {  	s10 =	rddreg [dreg:$0xb];
	[sflag:s0] =	ssyncadd.s32 $0xFFFFE800  }
0x4e: {  	[spmem:s10] =	stream.linear.scatter [tilespmem:s31], [sflag:$0xB], $0x1800, $0x38;
	[tilespmem:$0x1F380] =	vst v63  }
0x4f: {  	_ =	swait.ge [sflag:s0], $0x1800  }
0x50: {  	[sflag:s0] =	ssyncset.done $0x0  }
0x51: {  	s11 =	rddreg [dreg:$0xc];
	[sflag:s0] =	ssyncadd.s32 $0xFFFFE800  }
0x52: {  	[spmem:s11] =	stream.linear.scatter [tilespmem:s31], [sflag:$0xB], $0x1800, $0x38;
	[tilespmem:$0x1F380] =	vst v63  }
0x53: {  	_ =	swait.ge [sflag:s0], $0x1800  }
0x54: {  	[sflag:s0] =	ssyncset.done $0x0  }
0x55: {  	s14 =	rddreg [dreg:$0xd];
	[sflag:s0] =	ssyncadd.s32 $0xFFFFE800  }
0x56: {  	[spmem:s14] =	stream.linear.scatter [tilespmem:s31], [sflag:$0xB], $0x1800, $0x38;
	[tilespmem:$0x1F380] =	vst v63  }
0x57: {  	_ =	swait.ge [sflag:s0], $0x1800  }
0x58: {  	[sflag:s0] =	ssyncset.done $0x0  }
0x59: {  	s10 =	rddreg [dreg:$0xe];
	[sflag:s0] =	ssyncadd.s32 $0xFFFFE800  }
0x5a: {  	[spmem:s10] =	stream.linear.scatter [tilespmem:s31], [sflag:$0xB], $0x1800, $0x38;
	[tilespmem:$0x1F380] =	vst v63  }
0x5b: {  	_ =	swait.ge [sflag:s0], $0x1800  }
0x5c: {  	[sflag:s0] =	ssyncset.done $0x0  }
0x5d: {  	s11 =	rddreg [dreg:$0xf];
	[sflag:s0] =	ssyncadd.s32 $0xFFFFE800  }
0x5e: {  	[spmem:s11] =	stream.linear.scatter [tilespmem:s31], [sflag:$0xB], $0x1800, $0x38;
	[tilespmem:$0x1F380] =	vst v63  }
0x5f: {  	_ =	swait.ge [sflag:s0], $0x1800  }
0x60: {  	[sflag:s0] =	ssyncset.done $0x0  }
0x61: {  	s14 =	rddreg [dreg:$0x10];
	[sflag:s0] =	ssyncadd.s32 $0xFFFFE800  }
0x62: {  	[spmem:s14] =	stream.linear.scatter [tilespmem:s31], [sflag:$0xB], $0x1800, $0x38;
	[tilespmem:$0x1F380] =	vst v63  }
0x63: {  	_ =	swait.ge [sflag:s0], $0x1800  }
0x64: {  	[sflag:s0] =	ssyncset.done $0x0  }
0x65: {  	s7 =	simm.s32 @!p0 $0xA300;
	[sflag:s0] =	ssyncadd.s32 $0xFFFFE800  }
0x66: {  	[spmem:s26] =	stream.linear.scatter @!p0 [tilespmem:s7], [sflag:$0xB], $0x800, $0x38;
	[tilespmem:$0x1F380] =	vst v63  }
0x67: {  	s7 =	simm.s32 @!p0 $0xB  }
0x68: {  	_ =	swait.ge @!p0 [sflag:s7], $0x800  }
0x69: {  	[sflag:s7] =	ssyncset.done @!p0 $0x0  }
0x6a: {  	[sflag:s7] =	ssyncadd.s32 @!p0 $0xFFFFF800  }
0x6b: {  	[bflag:$0x0] =	sbarrier.arrive $0xFFFF  }
0x6c: {  	s14 =	simm.s32 $0x0;
	s26 =	rddreg [dreg:$0x11]  }
0x6d: {  	[tilespmem:s14], [sflag:$0x7] =	stream.linear.gather [hbm4b:s26+s14], $0x50, $0x38;
	[tilespmem:$0x1F380] =	vst v63  }
0x6e: {  	s10 =	rddreg [dreg:$0x16]  }
0x6f: {  	[tilespmem:s3], [sflag:$0x9] =	stream.linear.gather [hbm4b:s10+s14], $0x50, $0x38;
	[tilespmem:$0x1F380] =	vst v63  }
0x70: {  	s11 =	rddreg [dreg:$0x17]  }
0x71: {  	[tilespmem:s8], [sflag:$0x8] =	stream.linear.gather [hbm4b:s11+s14], $0x50, $0x38;
	[tilespmem:$0x1F380] =	vst v63  }
0x72: {  	s26 =	rddreg [dreg:$0x18];
	s10 =	simm.s32 $0x7  }
0x73: {  	[tilespmem:s9], [sflag:$0xA] =	stream.linear.gather [hbm4b:s26+s14], $0x50, $0x38;
	[tilespmem:$0x1F380] =	vst v63  }
0x74: {  	_ =	swait.ge [sflag:s10], $0x50  }
0x75: {  	[sflag:s10] =	ssyncset.done $0x0  }
0x76: {  	s11 =	simm.s32 $0x9;
	[sflag:s10] =	ssyncadd.s32 $0xFFFFFFB0  }
0x77: {  	_ =	swait.ge [sflag:s11], $0x50  }
0x78: {  	[sflag:s11] =	ssyncset.done $0x0  }
0x79: {  	[sflag:s11] =	ssyncadd.s32 $0xFFFFFFB0  }
0x7a: {  	[tilespmem:s13], [sflag:$0x1] =	stream.indirect.gather [hbm4b:s1+s12], $0x80, s14, s12, $0xb8;
	[tilespmem:$0x1F380] =	vst v63  }
0x7b: {  	s26 =	simm.s32 $0x5300  }
0x7c: {  	[tilespmem:s26], [sflag:$0x3] =	stream.indirect.gather [hbm4b:s5+s12], $0x80, s3, s12, $0xb8;
	[tilespmem:$0x1F380] =	vst v63  }
.LBB2_4:
0x7d: {  	_ =	swait.ge [sflag:s15], $0x2800  }
0x7e: {  	[sflag:s15] =	ssyncset.done $0x0  }
0x7f: {  	[sflag:s15] =	ssyncadd.s32 $0xFFFFD800  }
0x80: {  	_ =	swait.ge [sflag:s16], $0x2800  }
0x81: {  	p1 =	seq.s32 s14, $0x0;
	[sflag:s16] =	ssyncset.done $0x0  }
0x82: {  	s7 =	simm.s32 @!p1 $0x6;
	[sflag:s16] =	ssyncadd.s32 $0xFFFFD800  }
0x83: {  	_ =	swait.ge @!p1 [sflag:s7], $0x2800  }
0x84: {  	[sflag:s7] =	ssyncset.done @!p1 $0x0  }
0x85: {  	[sflag:s7] =	ssyncadd.s32 @!p1 $0xFFFFD800  }
0x86: {  	_ =	swait.ge [sflag:s17], $0x50  }
0x87: {  	[sflag:s17] =	ssyncset.done $0x0  }
0x88: {  	[sflag:s17] =	ssyncadd.s32 $0xFFFFFFB0  }
0x89: {  	_ =	swait.ge [sflag:s18], $0x50  }
0x8a: {  	[sflag:s18] =	ssyncset.done $0x0  }
0x8b: {  	[sflag:s18] =	ssyncadd.s32 $0xFFFFFFB0  }
0x8c: {  	[tilespmem:s19], [sflag:$0x2] =	stream.indirect.gather [hbm4b:s1+s12], $0x80, s8, s12, $0xb8;
	[tilespmem:$0x1F380] =	vst v63  }
0x8d: {  	_ = 	snop  }
0x8e: {  	[tilespmem:s21], [sflag:$0x4] =	stream.indirect.gather [hbm4b:s5+s12], $0x80, s9, s12, $0xb8;
	[tilespmem:$0x1F380] =	vst v63  }
0x8f: {  	v1 =	vld [tilespmem:$0x100]  }
0x90: {  	v2 =	vld [tilespmem:$0x110]  }
0x91: {  	v3 =	vld [tilespmem:$0x120]  }
0x92: {  	v4 =	vld [tilespmem:$0x130]  }
0x93: {  	v5 =	vld [tilespmem:$0x140]  }
0x94: {  	[tilespmem:$0x200] =	vst v1  }
0x95: {  	[tilespmem:$0x210] =	vst v2  }
0x96: {  	[tilespmem:$0x220] =	vst v3  }
0x97: {  	[tilespmem:$0x230] =	vst v4  }
0x98: {  	s26 =	simm.s32 $0x0;
	[tilespmem:$0x240] =	vst v5  }
0x99: {  	v7 =	vld [tilespmem:s26+$0x5300]  }
0x9a: {  	v12 =	vld [tilespmem:s26+$0x5310]  }
0x9b: {  	v6 =	vld [tilespmem:s26+$0x5320]  }
0x9c: {  	v5 =	vld [tilespmem:s26+$0x5330]  }
0x9d: {  	v4 =	vld [tilespmem:s26+$0x5340]  }
0x9e: {  	v3 =	vld [tilespmem:s26+$0x5350]  }
0x9f: {  	v2 =	vld [tilespmem:s26+$0x5360]  }
0xa0: {  	v1 =	vld [tilespmem:s26+$0x5370]  }
0xa1: {  	v13 =	vld [tilespmem:s26+$0x300]  }
0xa2: {  	v14 =	vld [tilespmem:s26+$0x310]  }
0xa3: {  	v11 =	vld [tilespmem:s26+$0x320]  }
0xa4: {  	v10 =	vld [tilespmem:s26+$0x330]  }
0xa5: {  	v9 =	vld [tilespmem:s26+$0x340]  }
0xa6: {  	v8 =	vld [tilespmem:s26+$0x350];
	v13 =	vadd.f32 v7, v13  }
0xa7: {  	s7 =	simm.s32 $0x200;
	v12 =	vadd.f32 v12, v14;
	v7 =	vld [tilespmem:s26+$0x360]  }
.LBB2_5:
0xa8: {  	s10 =	sshra.s32 s7, $0x2;
	p1 =	sne.s32 s7, $0x9E00;
	v13 =	vmax.f32 v13, $0.0e+00;
	v6 =	vadd.f32 v6, v11;
	v11 =	vld [tilespmem:s26+$0x370]  }
0xa9: {  	v14 =	vld [tilespmem:s10+$0x5300];
	[tilespmem:s26+$0x300] =	vst v13;
	v12 =	vmax.f32 v12, $0.0e+00;
	v5 =	vadd.f32 v5, v10  }
0xaa: {  	v15 =	vld [tilespmem:s10+$0x5310];
	[tilespmem:s26+$0x310] =	vst v12;
	v10 =	vmax.f32 v6, $0.0e+00;
	v4 =	vadd.f32 v4, v9  }
0xab: {  	v6 =	vld [tilespmem:s10+$0x5320];
	[tilespmem:s26+$0x320] =	vst v10;
	v9 =	vmax.f32 v5, $0.0e+00;
	v3 =	vadd.f32 v3, v8  }
0xac: {  	v5 =	vld [tilespmem:s10+$0x5330];
	[tilespmem:s26+$0x330] =	vst v9;
	v8 =	vmax.f32 v4, $0.0e+00;
	v2 =	vadd.f32 v2, v7  }
0xad: {  	v4 =	vld [tilespmem:s10+$0x5340];
	[tilespmem:s26+$0x340] =	vst v8;
	v7 =	vmax.f32 v3, $0.0e+00;
	v1 =	vadd.f32 v1, v11  }
0xae: {  	v3 =	vld [tilespmem:s10+$0x5350];
	[tilespmem:s26+$0x350] =	vst v7;
	v7 =	vmax.f32 v2, $0.0e+00  }
0xaf: {  	v2 =	vld [tilespmem:s10+$0x5360];
	[tilespmem:s26+$0x360] =	vst v7;
	v7 =	vmax.f32 v1, $0.0e+00  }
0xb0: {  	v1 =	vld [tilespmem:s10+$0x5370];
	[tilespmem:s26+$0x370] =	vst v7;
	s26 =	smov.u32 s10  }
0xb1: {  	v7 =	vld [tilespmem:s26+$0x300]  }
0xb2: {  	v12 =	vld [tilespmem:s26+$0x310]  }
.Ltmp1:
0xb3: {  	v11 =	vld [tilespmem:s26+$0x320];
	(pc) =	sbr.rel @p1 .LBB2_5-.Ltmp1, $4  }
0xb4: {  	v10 =	vld [tilespmem:s26+$0x330]  }
0xb5: {  	v9 =	vld [tilespmem:s26+$0x340]  }
0xb6: {  	v13 =	vadd.f32 v14, v7;
	v8 =	vld [tilespmem:s26+$0x350]  }
0xb7: {  	s7 =	sadd.s32 $0x200, s7;
	v12 =	vadd.f32 v15, v12;
	v7 =	vld [tilespmem:s26+$0x360]  }
0xb8: {  	v13 =	vmax.f32 v13, $0.0e+00;
	v6 =	vadd.f32 v6, v11;
	v11 =	vld [tilespmem:s26+$0x370]  }
0xb9: {  	[tilespmem:s26+$0x300] =	vst v13;
	v12 =	vmax.f32 v12, $0.0e+00;
	v5 =	vadd.f32 v5, v10  }
0xba: {  	[tilespmem:s26+$0x310] =	vst v12;
	v6 =	vmax.f32 v6, $0.0e+00;
	v4 =	vadd.f32 v4, v9  }
0xbb: {  	[tilespmem:s26+$0x320] =	vst v6;
	v5 =	vmax.f32 v5, $0.0e+00;
	v3 =	vadd.f32 v3, v8  }
0xbc: {  	[tilespmem:s26+$0x330] =	vst v5;
	v4 =	vmax.f32 v4, $0.0e+00;
	v2 =	vadd.f32 v2, v7  }
0xbd: {  	[tilespmem:s26+$0x340] =	vst v4;
	v3 =	vmax.f32 v3, $0.0e+00;
	v1 =	vadd.f32 v1, v11  }
0xbe: {  	[tilespmem:s26+$0x350] =	vst v3;
	v2 =	vmax.f32 v2, $0.0e+00  }
0xbf: {  	[tilespmem:s26+$0x360] =	vst v2;
	v1 =	vmax.f32 v1, $0.0e+00  }
0xc0: {  	[tilespmem:s26+$0x370] =	vst v1;
	s26 =	smul.u32 $0xA0, s14  }
0xc1: {  	[spmem:s2] =	stream.indirect.scatter.add.f32 [tilespmem:s13], [sflag:$0x5], $0x80, s24, s12, $0xb8;
	[tilespmem:$0x1F380] =	vst v63  }
0xc2: {  	s7 =	sadd.s32 s26, s22  }
0xc3: {  	s7 =	sshrl.u32 s7, $0x3  }
0xc4: {  	s7 =	sadd.s32 s6, s7  }
0xc5: {  	[tilespmem:s4], [sflag:$0x7] =	stream.linear.gather [hbm4b:s7+s4], $0x50, $0x38;
	[tilespmem:$0x1F380] =	vst v63  }
0xc6: {  	s7 =	sadd.s32 $0x9C40, s7  }
0xc7: {  	[tilespmem:s3], [sflag:$0x9] =	stream.linear.gather [hbm4b:s7+s4], $0x50, $0x38;
	[tilespmem:$0x1F380] =	vst v63  }
0xc8: {  	_ =	swait.ge [sflag:s25], $0x2800  }
0xc9: {  	[sflag:s25] =	ssyncset.done $0x0  }
0xca: {  	[sflag:s25] =	ssyncadd.s32 $0xFFFFD800  }
0xcb: {  	_ =	swait.ge [sflag:s28], $0x2800  }
0xcc: {  	[sflag:s28] =	ssyncset.done $0x0  }
0xcd: {  	[sflag:s28] =	ssyncadd.s32 $0xFFFFD800  }
0xce: {  	_ =	swait.ge [sflag:s29], $0x2800  }
0xcf: {  	p1 =	seq.s32 s14, $0x3D;
	[sflag:s29] =	ssyncset.done $0x0  }
0xd0: {  	s7 =	simm.s32 @!p1 $0x7;
	[sflag:s29] =	ssyncadd.s32 $0xFFFFD800  }
0xd1: {  	_ =	swait.ge @!p1 [sflag:s7], $0x50  }
0xd2: {  	[sflag:s7] =	ssyncset.done @!p1 $0x0  }
0xd3: {  	[sflag:s7] =	ssyncadd.s32 @!p1 $0xFFFFFFB0;
	s7 =	simm.s32 @!p1 $0x9  }
0xd4: {  	_ =	swait.ge @!p1 [sflag:s7], $0x50  }
0xd5: {  	s10 =	simm.s32 @!p1 $0x0;
	[sflag:s7] =	ssyncset.done @!p1 $0x0  }
0xd6: {  	s11 =	simm.s32 @!p1 $0x300;
	[sflag:s7] =	ssyncadd.s32 @!p1 $0xFFFFFFB0;
	s7 =	simm.s32 @!p1 $0x50  }
0xd7: {  	[tilespmem:s11], [sflag:$0x1] =	stream.indirect.gather @!p1 [hbm4b:s1+s7], $0x80, s10, s7, $0xb8;
	[tilespmem:$0x1F380] =	vst v63  }
0xd8: {  	s10 =	simm.s32 @!p1 $0x100;
	s11 =	simm.s32 @!p1 $0x5300  }
0xd9: {  	[tilespmem:s11], [sflag:$0x3] =	stream.indirect.gather @!p1 [hbm4b:s5+s7], $0x80, s10, s7, $0xb8;
	[tilespmem:$0x1F380] =	vst v63  }
0xda: {  	v1 =	vld [tilespmem:$0x180]  }
0xdb: {  	v2 =	vld [tilespmem:$0x190]  }
0xdc: {  	v3 =	vld [tilespmem:$0x1A0]  }
0xdd: {  	v4 =	vld [tilespmem:$0x1B0]  }
0xde: {  	v5 =	vld [tilespmem:$0x1C0]  }
0xdf: {  	[tilespmem:$0x280] =	vst v1  }
0xe0: {  	[tilespmem:$0x290] =	vst v2  }
0xe1: {  	[tilespmem:$0x2A0] =	vst v3  }
0xe2: {  	[tilespmem:$0x2B0] =	vst v4  }
0xe3: {  	s7 =	simm.s32 $0x0;
	[tilespmem:$0x2C0] =	vst v5  }
0xe4: {  	v7 =	vld [tilespmem:s7+$0x7B00]  }
0xe5: {  	v12 =	vld [tilespmem:s7+$0x7B10]  }
0xe6: {  	v6 =	vld [tilespmem:s7+$0x7B20]  }
0xe7: {  	v5 =	vld [tilespmem:s7+$0x7B30]  }
0xe8: {  	v4 =	vld [tilespmem:s7+$0x7B40]  }
0xe9: {  	v3 =	vld [tilespmem:s7+$0x7B50]  }
0xea: {  	v2 =	vld [tilespmem:s7+$0x7B60]  }
0xeb: {  	v1 =	vld [tilespmem:s7+$0x7B70]  }
0xec: {  	v13 =	vld [tilespmem:s7+$0x2B00]  }
0xed: {  	v14 =	vld [tilespmem:s7+$0x2B10]  }
0xee: {  	v11 =	vld [tilespmem:s7+$0x2B20]  }
0xef: {  	v10 =	vld [tilespmem:s7+$0x2B30]  }
0xf0: {  	v9 =	vld [tilespmem:s7+$0x2B40]  }
0xf1: {  	v8 =	vld [tilespmem:s7+$0x2B50];
	v13 =	vadd.f32 v7, v13  }
0xf2: {  	s10 =	simm.s32 $0x200;
	v12 =	vadd.f32 v12, v14;
	v7 =	vld [tilespmem:s7+$0x2B60]  }
.LBB2_7:
0xf3: {  	s11 =	sshra.s32 s10, $0x2;
	p2 =	sne.s32 s10, $0x9E00;
	v13 =	vmax.f32 v13, $0.0e+00;
	v6 =	vadd.f32 v6, v11;
	v11 =	vld [tilespmem:s7+$0x2B70]  }
0xf4: {  	v14 =	vld [tilespmem:s11+$0x7B00];
	[tilespmem:s7+$0x2B00] =	vst v13;
	v12 =	vmax.f32 v12, $0.0e+00;
	v5 =	vadd.f32 v5, v10  }
0xf5: {  	v15 =	vld [tilespmem:s11+$0x7B10];
	[tilespmem:s7+$0x2B10] =	vst v12;
	v10 =	vmax.f32 v6, $0.0e+00;
	v4 =	vadd.f32 v4, v9  }
0xf6: {  	v6 =	vld [tilespmem:s11+$0x7B20];
	[tilespmem:s7+$0x2B20] =	vst v10;
	v9 =	vmax.f32 v5, $0.0e+00;
	v3 =	vadd.f32 v3, v8  }
0xf7: {  	v5 =	vld [tilespmem:s11+$0x7B30];
	[tilespmem:s7+$0x2B30] =	vst v9;
	v8 =	vmax.f32 v4, $0.0e+00;
	v2 =	vadd.f32 v2, v7  }
0xf8: {  	v4 =	vld [tilespmem:s11+$0x7B40];
	[tilespmem:s7+$0x2B40] =	vst v8;
	v7 =	vmax.f32 v3, $0.0e+00;
	v1 =	vadd.f32 v1, v11  }
0xf9: {  	v3 =	vld [tilespmem:s11+$0x7B50];
	[tilespmem:s7+$0x2B50] =	vst v7;
	v7 =	vmax.f32 v2, $0.0e+00  }
0xfa: {  	v2 =	vld [tilespmem:s11+$0x7B60];
	[tilespmem:s7+$0x2B60] =	vst v7;
	v7 =	vmax.f32 v1, $0.0e+00  }
0xfb: {  	v1 =	vld [tilespmem:s11+$0x7B70];
	[tilespmem:s7+$0x2B70] =	vst v7;
	s7 =	smov.u32 s11  }
0xfc: {  	v7 =	vld [tilespmem:s7+$0x2B00]  }
0xfd: {  	v12 =	vld [tilespmem:s7+$0x2B10]  }
.Ltmp2:
0xfe: {  	v11 =	vld [tilespmem:s7+$0x2B20];
	(pc) =	sbr.rel @p2 .LBB2_7-.Ltmp2, $4  }
0xff: {  	v10 =	vld [tilespmem:s7+$0x2B30]  }
0x100: {  	v9 =	vld [tilespmem:s7+$0x2B40]  }
0x101: {  	v13 =	vadd.f32 v14, v7;
	v8 =	vld [tilespmem:s7+$0x2B50]  }
0x102: {  	s10 =	sadd.s32 $0x200, s10;
	v12 =	vadd.f32 v15, v12;
	v7 =	vld [tilespmem:s7+$0x2B60]  }
0x103: {  	v13 =	vmax.f32 v13, $0.0e+00;
	v6 =	vadd.f32 v6, v11;
	v63 =	vld [tilespmem:s7+$0x2B70]  }
0x104: {  	[tilespmem:s7+$0x2B00] =	vst v13;
	v12 =	vmax.f32 v12, $0.0e+00;
	v5 =	vadd.f32 v5, v10  }
0x105: {  	[tilespmem:s7+$0x2B10] =	vst v12;
	v6 =	vmax.f32 v6, $0.0e+00;
	v4 =	vadd.f32 v4, v9  }
0x106: {  	[tilespmem:s7+$0x2B20] =	vst v6;
	v5 =	vmax.f32 v5, $0.0e+00;
	v3 =	vadd.f32 v3, v8  }
0x107: {  	[tilespmem:s7+$0x2B30] =	vst v5;
	v4 =	vmax.f32 v4, $0.0e+00;
	v2 =	vadd.f32 v2, v7  }
.Ltmp3:
0x108: {  	[tilespmem:s7+$0x2B40] =	vst v4;
	v3 =	vmax.f32 v3, $0.0e+00;
	v1 =	vadd.f32 v1, v63;
	(pc) =	sbr.rel @p1 .LBB2_10-.Ltmp3, $4  }
0x109: {  	[tilespmem:s7+$0x2B50] =	vst v3;
	v2 =	vmax.f32 v2, $0.0e+00  }
0x10a: {  	[tilespmem:s7+$0x2B60] =	vst v2;
	v1 =	vmax.f32 v1, $0.0e+00  }
0x10b: {  	[tilespmem:s7+$0x2B70] =	vst v1  }
0x10c: {  	[spmem:s2] =	stream.indirect.scatter.add.f32 [tilespmem:s19], [sflag:$0x6], $0x80, s30, s12, $0xb8;
	[tilespmem:$0x1F380] =	vst v63  }
0x10d: {  	s7 =	sadd.s32 s26, s23  }
.Ltmp4:
0x10e: {  	s7 =	sshrl.u32 s7, $0x3;
	(pc) =	sbr.rel .LBB2_4-.Ltmp4, $4  }
0x10f: {  	s7 =	sadd.s32 s6, s7  }
0x110: {  	[tilespmem:s8], [sflag:$0x8] =	stream.linear.gather [hbm4b:s7+s4], $0x50, $0x38;
	[tilespmem:$0x1F380] =	vst v63  }
0x111: {  	s14 =	sadd.s32 $0x1, s14;
	s7 =	sadd.s32 $0x9C40, s7  }
0x112: {  	[tilespmem:s9], [sflag:$0xA] =	stream.linear.gather [hbm4b:s7+s4], $0x50, $0x38;
	[tilespmem:$0x1F380] =	vst v63  }
.LBB2_10:
0x113: {  	s7 =	simm.s32 $0x7  }
0x114: {  	_ =	swait.ge [sflag:s7], $0x50  }
0x115: {  	[sflag:s7] =	ssyncset.done $0x0  }
0x116: {  	s10 =	simm.s32 $0x9;
	[sflag:s7] =	ssyncadd.s32 $0xFFFFFFB0  }
0x117: {  	_ =	swait.ge [sflag:s10], $0x50  }
0x118: {  	[sflag:s10] =	ssyncset.done $0x0  }
0x119: {  	s11 =	simm.s32 $0x0;
	[sflag:s10] =	ssyncadd.s32 $0xFFFFFFB0  }
0x11a: {  	[tilespmem:s13], [sflag:$0x1] =	stream.indirect.gather [hbm4b:s1+s12], $0x80, s11, s12, $0xb8;
	[tilespmem:$0x1F380] =	vst v63  }
0x11b: {  	s14 =	simm.s32 $0x5300  }
0x11c: {  	[tilespmem:s14], [sflag:$0x3] =	stream.indirect.gather [hbm4b:s5+s12], $0x80, s3, s12, $0xb8;
	[tilespmem:$0x1F380] =	vst v63  }
0x11d: {  	_ =	swait.ge [sflag:s15], $0x2800  }
0x11e: {  	[sflag:s15] =	ssyncset.done $0x0  }
0x11f: {  	[sflag:s15] =	ssyncadd.s32 $0xFFFFD800  }
0x120: {  	_ =	swait.ge [sflag:s16], $0x2800  }
0x121: {  	[sflag:s16] =	ssyncset.done $0x0  }
0x122: {  	s26 =	simm.s32 $0x6;
	[sflag:s16] =	ssyncadd.s32 $0xFFFFD800  }
0x123: {  	_ =	swait.ge [sflag:s26], $0x2800  }
0x124: {  	[sflag:s26] =	ssyncset.done $0x0  }
0x125: {  	[sflag:s26] =	ssyncadd.s32 $0xFFFFD800  }
0x126: {  	v1 =	vld [tilespmem:$0x100]  }
0x127: {  	v2 =	vld [tilespmem:$0x110]  }
0x128: {  	v3 =	vld [tilespmem:$0x120]  }
0x129: {  	v4 =	vld [tilespmem:$0x130]  }
0x12a: {  	v5 =	vld [tilespmem:$0x140]  }
0x12b: {  	[tilespmem:$0x200] =	vst v1  }
0x12c: {  	[tilespmem:$0x210] =	vst v2  }
0x12d: {  	[tilespmem:$0x220] =	vst v3  }
0x12e: {  	[tilespmem:$0x230] =	vst v4  }
0x12f: {  	s7 =	simm.s32 $0x0;
	[tilespmem:$0x240] =	vst v5  }
0x130: {  	v7 =	vld [tilespmem:s7+$0x5300]  }
0x131: {  	v12 =	vld [tilespmem:s7+$0x5310]  }
0x132: {  	v6 =	vld [tilespmem:s7+$0x5320]  }
0x133: {  	v5 =	vld [tilespmem:s7+$0x5330]  }
0x134: {  	v4 =	vld [tilespmem:s7+$0x5340]  }
0x135: {  	v3 =	vld [tilespmem:s7+$0x5350]  }
0x136: {  	v2 =	vld [tilespmem:s7+$0x5360]  }
0x137: {  	v1 =	vld [tilespmem:s7+$0x5370]  }
0x138: {  	v13 =	vld [tilespmem:s7+$0x300]  }
0x139: {  	v14 =	vld [tilespmem:s7+$0x310]  }
0x13a: {  	v11 =	vld [tilespmem:s7+$0x320]  }
0x13b: {  	v10 =	vld [tilespmem:s7+$0x330]  }
0x13c: {  	v9 =	vld [tilespmem:s7+$0x340]  }
0x13d: {  	v8 =	vld [tilespmem:s7+$0x350];
	v13 =	vadd.f32 v7, v13  }
0x13e: {  	s10 =	simm.s32 $0x200;
	v12 =	vadd.f32 v12, v14;
	v7 =	vld [tilespmem:s7+$0x360]  }
.LBB2_11:
0x13f: {  	s11 =	sshra.s32 s10, $0x2;
	p1 =	sne.s32 s10, $0x9E00;
	v13 =	vmax.f32 v13, $0.0e+00;
	v6 =	vadd.f32 v6, v11;
	v11 =	vld [tilespmem:s7+$0x370]  }
0x140: {  	v14 =	vld [tilespmem:s11+$0x5300];
	[tilespmem:s7+$0x300] =	vst v13;
	v12 =	vmax.f32 v12, $0.0e+00;
	v5 =	vadd.f32 v5, v10  }
0x141: {  	v15 =	vld [tilespmem:s11+$0x5310];
	[tilespmem:s7+$0x310] =	vst v12;
	v10 =	vmax.f32 v6, $0.0e+00;
	v4 =	vadd.f32 v4, v9  }
0x142: {  	v6 =	vld [tilespmem:s11+$0x5320];
	[tilespmem:s7+$0x320] =	vst v10;
	v9 =	vmax.f32 v5, $0.0e+00;
	v3 =	vadd.f32 v3, v8  }
0x143: {  	v5 =	vld [tilespmem:s11+$0x5330];
	[tilespmem:s7+$0x330] =	vst v9;
	v8 =	vmax.f32 v4, $0.0e+00;
	v2 =	vadd.f32 v2, v7  }
0x144: {  	v4 =	vld [tilespmem:s11+$0x5340];
	[tilespmem:s7+$0x340] =	vst v8;
	v7 =	vmax.f32 v3, $0.0e+00;
	v1 =	vadd.f32 v1, v11  }
0x145: {  	v3 =	vld [tilespmem:s11+$0x5350];
	[tilespmem:s7+$0x350] =	vst v7;
	v7 =	vmax.f32 v2, $0.0e+00  }
0x146: {  	v2 =	vld [tilespmem:s11+$0x5360];
	[tilespmem:s7+$0x360] =	vst v7;
	v7 =	vmax.f32 v1, $0.0e+00  }
0x147: {  	v1 =	vld [tilespmem:s11+$0x5370];
	[tilespmem:s7+$0x370] =	vst v7;
	s7 =	smov.u32 s11  }
0x148: {  	v7 =	vld [tilespmem:s7+$0x300]  }
0x149: {  	v12 =	vld [tilespmem:s7+$0x310]  }
.Ltmp5:
0x14a: {  	v11 =	vld [tilespmem:s7+$0x320];
	(pc) =	sbr.rel @p1 .LBB2_11-.Ltmp5, $4  }
0x14b: {  	v10 =	vld [tilespmem:s7+$0x330]  }
0x14c: {  	v9 =	vld [tilespmem:s7+$0x340]  }
0x14d: {  	v13 =	vadd.f32 v14, v7;
	v8 =	vld [tilespmem:s7+$0x350]  }
0x14e: {  	s10 =	sadd.s32 $0x200, s10;
	v12 =	vadd.f32 v15, v12;
	v7 =	vld [tilespmem:s7+$0x360]  }
0x14f: {  	v13 =	vmax.f32 v13, $0.0e+00;
	v6 =	vadd.f32 v6, v11;
	v63 =	vld [tilespmem:s7+$0x370]  }
0x150: {  	[tilespmem:s7+$0x300] =	vst v13;
	v12 =	vmax.f32 v12, $0.0e+00;
	v5 =	vadd.f32 v5, v10  }
0x151: {  	[tilespmem:s7+$0x310] =	vst v12;
	v6 =	vmax.f32 v6, $0.0e+00;
	v4 =	vadd.f32 v4, v9  }
0x152: {  	[tilespmem:s7+$0x320] =	vst v6;
	v5 =	vmax.f32 v5, $0.0e+00;
	v3 =	vadd.f32 v3, v8  }
0x153: {  	[tilespmem:s7+$0x330] =	vst v5;
	v4 =	vmax.f32 v4, $0.0e+00;
	v2 =	vadd.f32 v2, v7  }
0x154: {  	[tilespmem:s7+$0x340] =	vst v4;
	v3 =	vmax.f32 v3, $0.0e+00;
	v1 =	vadd.f32 v1, v63  }
0x155: {  	[tilespmem:s7+$0x350] =	vst v3;
	v2 =	vmax.f32 v2, $0.0e+00  }
0x156: {  	[tilespmem:s7+$0x360] =	vst v2;
	v1 =	vmax.f32 v1, $0.0e+00  }
0x157: {  	[tilespmem:s7+$0x370] =	vst v1  }
0x158: {  	[spmem:s2] =	stream.indirect.scatter.add.f32 [tilespmem:s13], [sflag:$0x5], $0x80, s24, s12, $0xb8;
	[tilespmem:$0x1F380] =	vst v63  }
0x159: {  	_ =	swait.ge [sflag:s29], $0x2800  }
0x15a: {  	[sflag:s29] =	ssyncset.done $0x0  }
0x15b: {  	[sflag:s29] =	ssyncadd.s32 $0xFFFFD800  }
0x15c: {  	s10 =	stileid.u32;
	[bflag:$0x0] =	sbarrier.arrive $0xFFFF  }
0x15d: {  	s7 =	sshll.u32 s10, $0x6;
	s14 =	rddreg [dreg:$0x4]  }
0x15e: {  	s7 =	sor.u32 $0x1C0B, s7;
	s11 =	rddreg [dreg:$0x12];
	s10 =	sshrl.u32 s14, $0x3  }
0x15f: {  	[hbm:s11], [sflag:s7] =	dma.local [spmem:s10], $0x2700  }
0x160: {  	_ =	swait.ge [sflag:s0], $0x2700  }
0x161: {  	[sflag:s0] =	ssyncset.done $0x0;
	s26 =	rddreg [dreg:$0x15]  }
0x162: {  	s11 =	rddreg [dreg:$0x13];
	[sflag:s0] =	ssyncadd.s32 $0xFFFFD900;
	s10 =	sshrl.u32 @!p0 s26, $0x3  }
0x163: {  	[hbm:s11], [sflag:s7] =	dma.local @!p0 [spmem:s10], $0x100  }
0x164: {  	s7 =	simm.s32 @!p0 $0xB  }
0x165: {  	_ =	swait.ge @!p0 [sflag:s7], $0x100  }
0x166: {  	s20 =	sadd.s32 $0x1, s20;
	s11 =	rddreg [dreg:$0x14]  }
0x167: {  	p1 =	sne.s32 s20, s11  }
.Ltmp6:
0x168: {  	_ = 	snop;
	(pc) =	sbr.rel @p1 .LBB2_1-.Ltmp6, $3  }
0x169: {  	_ =	sdelay $0x1  }
0x16a: {  	[sflag:s7] =	ssyncset.done @!p0 $0x0  }
0x16b: {  	[sflag:s7] =	ssyncadd.s32 @!p0 $0xFFFFFF00  }
0x16c: {  	_ =	sfence.sel $0x180000  }
0x16d: {  	[bflag:$0x0] =	sbarrier.arrive $0xFFFF  }
0x16e: {  	_ =	strace $0x90000047  }
0x16f: {  	s0 =	stileid.u32;
	[bflag:$0x2] =	sbarrier.arrive $0xFFFF  }
0x170: {  	p0 =	sne.s32 s0, $0x0;
	s0 =	rddreg [dreg:$0x3]  }
0x171: {  	s0 =	sadd.s32 @!p0 $0x100000, s0  }
0x172: {  	[sflag:s0] =	ssyncadd.tile.s32 @!p0 $0x1;
	_ =	shalt  }
.Lfunc_end2:
_tile_overlayer_lowered:
.L_overlay_start_2:
0x173: {  	(tag) =	ssettag $0x2  }
0x174: {  	s0 =	rddreg [dreg:$0x0];
	s2 =	stileid.u32  }
0x175: {  	s1 =	rddreg [dreg:$0x1];
	p0 =	sne.s32 s2, $0x0  }
0x176: {  	s3 =	rddreg [dreg:$0x2];
	[bflag:$0x3] =	sbarrier.arrive $0xFFFF;
	s2 =	simm.s32 @!p0 $0x1C0B  }
0x177: {  	[timem:s3], [sflag:s2] =	dma.local @!p0 [hbm:s0], s1  }
0x178: {  	s0 =	simm.s32 @!p0 $0xB  }
0x179: {  	_ =	swait.ge @!p0 [sflag:s0], s1  }
0x17a: {  	s1 =	ssub.s32 @!p0 $0x0, s1;
	[sflag:s0] =	ssyncset.done @!p0 $0x0  }
0x17b: {  	[sflag:s0] =	ssyncadd.s32 @!p0 s1  }
0x17c: {  	[bflag:$0x3] =	sbarrier.arrive $0xFFFF  }
0x17d: {  	_ =	shalt  }

</sc_bundles>
